<compile_context>
chip_gen: v7x
topology: tpu7x:2x2x1
jax: 0.10.2.dev20260603
libtpu: 0.0.44.dev20260713+nightly
codegen_flags: <defaults>
</compile_context>

<pallas_src>
import functools

import jax
import jax.numpy as jnp
import numpy as np
from jax import lax
from jax.experimental import pallas as pl
from jax.experimental.pallas import tpu as pltpu
from jax.experimental.pallas import tpu_sc as plsc

N, E, D, G = 10000, 320000, 128, 64
NC, NS = 2, 16
NW = NC * NS
EPT = E // NW
CHUNK = 80
NCHUNK = EPT // CHUNK
NP = 10240
RPT = NP // NS
BN = 400
NB = N // BN
NEG = np.float32(-1000000000.0)

def _mesh():
    return plsc.VectorSubcoreMesh(core_axis_name="c", subcore_axis_name="s")


def _deg_sc(dst3, zeros1):

    @functools.partial(
        pl.kernel,
        out_type=jax.ShapeDtypeStruct((NC, NP), jnp.float32),
        mesh=_mesh(),
        scratch_types=[
            pltpu.VMEM((NCHUNK, CHUNK), jnp.int32),
            pltpu.VMEM((CHUNK,), jnp.float32),
            pltpu.VMEM_SHARED((NP,), jnp.float32),
        ],
    )
    def k(dst_hbm, z_hbm, out_hbm, idx_v, ones_v, acc_sh):
        c = lax.axis_index("c")
        s = lax.axis_index("s")
        tile = c * NS + s

        @pl.loop(0, CHUNK // 16)
        def _(i):
            ones_v[pl.ds(i * 16, 16)] = jnp.full((16,), 1.0, jnp.float32)

        @pl.when(s == 0)
        def _():
            pltpu.sync_copy(z_hbm, acc_sh)

        pltpu.sync_copy(dst_hbm.at[tile], idx_v)
        plsc.subcore_barrier()

        @pl.loop(0, NCHUNK)
        def _(j):
            pltpu.sync_copy(ones_v, acc_sh.at[idx_v.at[j]], add=True)

        plsc.subcore_barrier()

        @pl.when(s == 0)
        def _():
            pltpu.sync_copy(acc_sh, out_hbm.at[c])

    return k(dst3, zeros1)


def _edge_sc(hp, src3, dst3, zerosD):

    @functools.partial(
        pl.kernel,
        out_type=jax.ShapeDtypeStruct((NC, NP, D), jnp.float32),
        mesh=_mesh(),
        scratch_types=[
            pltpu.VMEM((CHUNK,), jnp.int32),
            pltpu.VMEM((CHUNK,), jnp.int32),
            pltpu.VMEM((CHUNK,), jnp.int32),
            pltpu.VMEM((CHUNK,), jnp.int32),
            pltpu.VMEM((CHUNK, D), jnp.float32),
            pltpu.VMEM((CHUNK, D), jnp.float32),
            pltpu.VMEM_SHARED((NP, D), jnp.float32),
            pltpu.SemaphoreType.DMA,
            pltpu.SemaphoreType.DMA,
            pltpu.SemaphoreType.DMA,
            pltpu.SemaphoreType.DMA,
            pltpu.SemaphoreType.DMA,
            pltpu.SemaphoreType.DMA,
        ],
    )
    def k(hp_hbm, src_hbm, dst_hbm, z_hbm, out_hbm,
          ibs0, ibs1, ibd0, ibd1, rows0, rows1, acc_sh,
          is0, is1, id0, id1, g0, g1):
        c = lax.axis_index("c")
        s = lax.axis_index("s")
        tile = c * NS + s
        tbase = tile * NCHUNK
        ibs = (ibs0, ibs1)
        ibd = (ibd0, ibd1)
        rows = (rows0, rows1)
        isem = (is0, is1)
        dsem = (id0, id1)
        gsem = (g0, g1)

        @pl.when(s == 0)
        def _():
            pltpu.sync_copy(z_hbm, acc_sh)

        plsc.subcore_barrier()

        def idx_start(j, b):
            pltpu.async_copy(src_hbm.at[tbase + j], ibs[b], isem[b])
            pltpu.async_copy(dst_hbm.at[tbase + j], ibd[b], dsem[b])

        def idx_wait_s(j, b):
            pltpu.make_async_copy(src_hbm.at[tbase + j], ibs[b], isem[b]).wait()

        def idx_wait_d(j, b):
            pltpu.make_async_copy(dst_hbm.at[tbase + j], ibd[b], dsem[b]).wait()

        def gather_start(b):
            pltpu.async_copy(hp_hbm.at[ibs[b]], rows[b], gsem[b])

        def gather_wait(b):
            pltpu.make_async_copy(hp_hbm.at[ibs[b]], rows[b], gsem[b]).wait()

        idx_start(0, 0)
        idx_start(1, 1)
        idx_wait_s(0, 0)
        gather_start(0)

        @pl.loop(0, NCHUNK // 2)
        def _(g):
            j = 2 * g
            gather_wait(0)
            idx_wait_s(j + 1, 1)
            gather_start(1)
            idx_wait_d(j, 0)
            pltpu.sync_copy(rows0, acc_sh.at[ibd0], add=True)
            idx_start(j + 2, 0)
            gather_wait(1)

            @pl.when(j + 2 < NCHUNK)
            def _():
                idx_wait_s(j + 2, 0)
                gather_start(0)
            idx_wait_d(j + 1, 1)
            pltpu.sync_copy(rows1, acc_sh.at[ibd1], add=True)

            @pl.when(j + 3 < NCHUNK)
            def _():
                idx_start(j + 3, 1)

        gather_wait(0)
        idx_wait_d(NCHUNK - 1, 0)
        pltpu.sync_copy(rows0, acc_sh.at[ibd0], add=True)

        plsc.subcore_barrier()

        @pl.when(s == 0)
        def _():
            pltpu.sync_copy(acc_sh, out_hbm.at[c])

    return k(hp, src3.reshape(NW * NCHUNK, CHUNK),
             dst3.reshape(NW * NCHUNK, CHUNK), zerosD)


def _l1_tc(x, W1, degp):

    def body(x_ref, w_ref, deg_ref, out_ref):
        d = deg_ref[0, :, 0] + deg_ref[1, :, 0] + 1.0
        dis = lax.rsqrt(d)
        h = jnp.dot(x_ref[...], w_ref[...],
                    preferred_element_type=jnp.float32,
                    precision=lax.Precision.HIGHEST)
        out_ref[...] = h * dis[:, None]

    return pl.pallas_call(
        body,
        grid=(NB,),
        in_specs=[
            pl.BlockSpec((BN, D), lambda i: (i, 0)),
            pl.BlockSpec((D, D), lambda i: (0, 0)),
            pl.BlockSpec((NC, BN, 1), lambda i: (0, i, 0)),
        ],
        out_specs=pl.BlockSpec((BN, D), lambda i: (i, 0)),
        out_shape=jax.ShapeDtypeStruct((N, D), jnp.float32),
    )(x, W1, degp)


def _l2_tc(S1, h1p, degp, b1r, W2):

    def body(s1_ref, h1p_ref, deg_ref, b1_ref, w_ref, out_ref):
        d = deg_ref[0, :, 0] + deg_ref[1, :, 0] + 1.0
        dis = lax.rsqrt(d)
        tot = s1_ref[0] + s1_ref[1] + h1p_ref[...]
        h1 = jnp.maximum(tot * dis[:, None] + b1_ref[...], 0.0)
        h2 = jnp.dot(h1, w_ref[...],
                     preferred_element_type=jnp.float32,
                     precision=lax.Precision.HIGHEST)
        out_ref[...] = h2 * dis[:, None]

    return pl.pallas_call(
        body,
        grid=(NB,),
        in_specs=[
            pl.BlockSpec((NC, BN, D), lambda i: (0, i, 0)),
            pl.BlockSpec((BN, D), lambda i: (i, 0)),
            pl.BlockSpec((NC, BN, 1), lambda i: (0, i, 0)),
            pl.BlockSpec((1, D), lambda i: (0, 0)),
            pl.BlockSpec((D, D), lambda i: (0, 0)),
        ],
        out_specs=pl.BlockSpec((BN, D), lambda i: (i, 0)),
        out_shape=jax.ShapeDtypeStruct((N, D), jnp.float32),
    )(S1, h1p, degp, b1r, W2)


def _head_tc(S2, h2p, degp, b2r, Wl1, bl1r, Wl2, bl2r, mask3, batch3):

    def body(s2_ref, h2p_ref, deg_ref, b2_ref, wl1_ref, bl1_ref, wl2_ref,
             bl2_ref, m_ref, b_ref, out_ref, s_sc, m_sc, den_sc, ex_sc):
        p = pl.program_id(0)
        j = pl.program_id(1)
        bblk = b_ref[0, 0, :]
        eq = bblk[:, None] == lax.broadcasted_iota(jnp.int32, (BN, G), 1)

        @pl.when(p == 0)
        def _():
            d = deg_ref[0, :, 0] + deg_ref[1, :, 0] + 1.0
            dis = lax.rsqrt(d)
            tot = s2_ref[0] + s2_ref[1] + h2p_ref[...]
            h2 = tot * dis[:, None] + b2_ref[...]
            t = jnp.maximum(
                jnp.dot(h2, wl1_ref[...],
                        preferred_element_type=jnp.float32,
                        precision=lax.Precision.HIGHEST) + bl1_ref[...], 0.0)
            sv = jnp.dot(t, wl2_ref[...],
                         preferred_element_type=jnp.float32,
                         precision=lax.Precision.HIGHEST)
            sc = sv[:, 0] + bl2_ref[0, 0]
            sc = jnp.where(m_ref[0, 0, :] == 0, NEG, sc)
            s_sc[j, 0, :] = sc

            @pl.when(j == 0)
            def _():
                m_sc[...] = jnp.full((1, G), -3.0e38, jnp.float32)

            contrib = jnp.max(jnp.where(eq, sc[:, None], -3.0e38), axis=0)
            m_sc[...] = jnp.maximum(m_sc[...], contrib[None, :])

        @pl.when(jnp.logical_and(p == 1, j == 0))
        def _():
            den_sc[...] = jnp.zeros((1, G), jnp.float32)

        @pl.when(p == 1)
        def _():
            sblk = s_sc[j, 0, :]
            mb = jnp.broadcast_to(m_sc[...], (BN, G))
            mpn = jnp.sum(jnp.where(eq, mb, 0.0), axis=1)
            ex = jnp.exp(sblk - mpn)
            ex_sc[j, 0, :] = ex
            den_sc[...] = den_sc[...] + jnp.sum(
                jnp.where(eq, ex[:, None], 0.0), axis=0)[None, :]

        @pl.when(p == 2)
        def _():
            db = jnp.broadcast_to(den_sc[...], (BN, G))
            dpn = jnp.sum(jnp.where(eq, db, 0.0), axis=1)
            out_ref[0, 0, :] = ex_sc[j, 0, :] / dpn

    return pl.pallas_call(
        body,
        grid=(3, NB),
        in_specs=[
            pl.BlockSpec((NC, BN, D), lambda p, j: (0, j, 0)),
            pl.BlockSpec((BN, D), lambda p, j: (j, 0)),
            pl.BlockSpec((NC, BN, 1), lambda p, j: (0, j, 0)),
            pl.BlockSpec((1, D), lambda p, j: (0, 0)),
            pl.BlockSpec((D, D), lambda p, j: (0, 0)),
            pl.BlockSpec((1, D), lambda p, j: (0, 0)),
            pl.BlockSpec((D, 1), lambda p, j: (0, 0)),
            pl.BlockSpec((1, 1), lambda p, j: (0, 0)),
            pl.BlockSpec((1, 1, BN), lambda p, j: (j, 0, 0)),
            pl.BlockSpec((1, 1, BN), lambda p, j: (j, 0, 0)),
        ],
        out_specs=pl.BlockSpec((1, 1, BN), lambda p, j: (j, 0, 0)),
        out_shape=jax.ShapeDtypeStruct((NB, 1, BN), jnp.float32),
        scratch_shapes=[
            pltpu.VMEM((NB, 1, BN), jnp.float32),
            pltpu.VMEM((1, G), jnp.float32),
            pltpu.VMEM((1, G), jnp.float32),
            pltpu.VMEM((NB, 1, BN), jnp.float32),
        ],
    )(S2, h2p, degp, b2r, Wl1, bl1r, Wl2, bl2r, mask3, batch3)


def kernel(x, edge_index, batch, mask, W1, b1, W2, b2, Wl1, bl1, Wl2, bl2):
    src3 = edge_index[0].reshape(NW, NCHUNK, CHUNK)
    dst3 = edge_index[1].reshape(NW, NCHUNK, CHUNK)
    zeros1 = jnp.zeros((NP,), jnp.float32)
    zerosD = jnp.zeros((NP, D), jnp.float32)

    degp = _deg_sc(dst3, zeros1)
    degp3 = degp.reshape(NC, NP, 1)
    h1p = _l1_tc(x, W1, degp3)
    S1 = _edge_sc(h1p, src3, dst3, zerosD)
    h2p = _l2_tc(S1, h1p, degp3, b1.reshape(1, D), W2)
    S2 = _edge_sc(h2p, src3, dst3, zerosD)
    out3 = _head_tc(S2, h2p, degp3, b2.reshape(1, D), Wl1,
                    bl1.reshape(1, D), Wl2, bl2.reshape(1, 1),
                    mask.reshape(NB, 1, BN), batch.reshape(NB, 1, BN))
    return out3.reshape(N)

# --- scband reference (transcript-rebuilt; emitter-appended) ---
"""Pipeline reference for scband-graph-conv-classifier-43499428774456 (READ-ONLY COPY).

The authoritative reference and input builder live on the scoring server;
editing this copy changes nothing except your own understanding.
"""

import jax, jax.numpy as jnp
import numpy as np

N, E, D, G = 10000, 320000, 128, 64


def gcn_conv(x, W, b, src, dst, n):
    loop = jnp.arange(n, dtype=src.dtype)
    s = jnp.concatenate([src, loop])
    d = jnp.concatenate([dst, loop])
    deg = jax.ops.segment_sum(jnp.ones(s.shape[0], jnp.float32), d, num_segments=n)
    dis = jnp.where(deg > 0, 1.0 / jnp.sqrt(deg), 0.0)
    norm = dis[s] * dis[d]
    h = x @ W
    out = jax.ops.segment_sum(norm[:, None] * h[s], d, num_segments=n)
    return out + b


def setup_inputs(seed: int = 0):
    key = jax.random.key(seed)
    ks = jax.random.split(key, 12)
    x = jax.random.normal(ks[0], (N, D), jnp.float32)
    edge_index = jax.random.randint(ks[1], (2, E), 0, N, jnp.int32)
    batch = jnp.sort(jax.random.randint(ks[2], (N,), 0, G, jnp.int32))
    mask = jax.random.randint(ks[3], (N,), 0, 2, jnp.int32)
    sc = 0.08
    W1 = jax.random.normal(ks[4], (D, D), jnp.float32) * sc
    b1 = jnp.zeros((D,), jnp.float32)
    W2 = jax.random.normal(ks[5], (D, D), jnp.float32) * sc
    b2 = jnp.zeros((D,), jnp.float32)
    Wl1 = jax.random.normal(ks[6], (D, D), jnp.float32) * sc
    bl1 = jnp.zeros((D,), jnp.float32)
    Wl2 = jax.random.normal(ks[7], (D, 1), jnp.float32) * sc
    bl2 = jnp.zeros((1,), jnp.float32)
    return {"x": x, "edge_index": edge_index, "batch": batch, "mask": mask,
            "W1": W1, "b1": b1, "W2": W2, "b2": b2,
            "Wl1": Wl1, "bl1": bl1, "Wl2": Wl2, "bl2": bl2}


def reference(x, edge_index, batch, mask, W1, b1, W2, b2, Wl1, bl1, Wl2, bl2):
    src, dst = edge_index[0], edge_index[1]
    n = x.shape[0]
    # GCN(in=D, hidden=D, out=D, num_layers=2); dropout is identity at inference
    h = gcn_conv(x, W1, b1, src, dst, n)
    h = jax.nn.relu(h)
    h = gcn_conv(h, W2, b2, src, dst, n)
    # linear head: Linear(D,D) -> ReLU -> Linear(D,1), squeeze
    s = jax.nn.relu(h @ Wl1 + bl1) @ Wl2 + bl2
    s = s.squeeze(-1)
    s = jnp.where(mask == 0, jnp.float32(-1000000000.0), s)
    # per-graph softmax over nodes (loop over unique(batch) == segment softmax)
    m = jax.ops.segment_max(s, batch, num_segments=G)
    ex = jnp.exp(s - m[batch])
    den = jax.ops.segment_sum(ex, batch, num_segments=G)
    return ex / den[batch]

if __name__ == "__main__":
    import jax
    _d = setup_inputs()
    print(jax.jit(kernel)(*tuple(_d.values())))

</pallas_src>

<mosaic_0001>
#map = affine_map<(d0, d1) -> (0, 0)>
#map1 = affine_map<(d0, d1) -> (0, 0, 0)>
module attributes {stable_mosaic.version = 14 : i64} {
  func.func @k(%arg0: i32, %arg1: i32, %arg2: memref<10000x128xf32, #tpu.memory_space<hbm>>, %arg3: memref<4000x80xi32, #tpu.memory_space<hbm>>, %arg4: memref<4000x80xi32, #tpu.memory_space<hbm>>, %arg5: memref<10240x128xf32, #tpu.memory_space<hbm>>, %arg6: memref<2x10240x128xf32, #tpu.memory_space<hbm>>, %arg7: memref<80xi32, #tpu.memory_space<vmem>>, %arg8: memref<80xi32, #tpu.memory_space<vmem>>, %arg9: memref<80xi32, #tpu.memory_space<vmem>>, %arg10: memref<80xi32, #tpu.memory_space<vmem>>, %arg11: memref<80x128xf32, #tpu.memory_space<vmem>>, %arg12: memref<80x128xf32, #tpu.memory_space<vmem>>, %arg13: memref<10240x128xf32, #tpu.memory_space<vmem_shared>>, %arg14: memref<!tpu.dma_semaphore, #tpu.memory_space<semaphore_mem>>, %arg15: memref<!tpu.dma_semaphore, #tpu.memory_space<semaphore_mem>>, %arg16: memref<!tpu.dma_semaphore, #tpu.memory_space<semaphore_mem>>, %arg17: memref<!tpu.dma_semaphore, #tpu.memory_space<semaphore_mem>>, %arg18: memref<!tpu.dma_semaphore, #tpu.memory_space<semaphore_mem>>, %arg19: memref<!tpu.dma_semaphore, #tpu.memory_space<semaphore_mem>>) attributes {dimension_semantics = [#tpu.dimension_semantics<core_parallel>, #tpu.dimension_semantics<subcore_parallel>], iteration_bounds = array<i64: 2, 16>, scalar_prefetch = 0 : i64, scratch_operands = 13 : i64, tpu.core_type = #tpu.core_type<sc_vector_subcore>, window_params = [{transform_indices = #map}, {transform_indices = #map}, {transform_indices = #map}, {transform_indices = #map}, {transform_indices = #map1}]} {
    %mul3A = arith.constant 16 : i32
    %mul3A_0 = arith.muli %arg0, %mul3A : i32
    %add3A = arith.addi %mul3A_0, %arg1 : i32
    %mul3A_1 = arith.constant 125 : i32
    %mul3A_2 = arith.muli %add3A, %mul3A_1 : i32
    %eq3A = arith.constant 0 : i32
    %eq3A_3 = arith.cmpi eq, %arg1, %eq3A : i32
    %convert_element_type3A = arith.extui %eq3A_3 : i1 to i32
    %cond3A = arith.constant 0 : i32
    %cond3A_4 = arith.cmpi ne, %convert_element_type3A, %cond3A : i32
    scf.if %cond3A_4 {
      "tpu.region"() ({
        %run_scoped3A = tpu.sem_alloc : memref<!tpu.dma_semaphore, #tpu.memory_space<semaphore_mem>>
        tpu.enqueue_dma source(%arg5 : memref<10240x128xf32, #tpu.memory_space<hbm>>) target(%arg13 : memref<10240x128xf32, #tpu.memory_space<vmem_shared>>) target_semaphore(%run_scoped3A : memref<!tpu.dma_semaphore, #tpu.memory_space<semaphore_mem>>)
        tpu.wait_dma2 semaphore(%run_scoped3A : memref<!tpu.dma_semaphore, #tpu.memory_space<semaphore_mem>>) src(%arg5 : memref<10240x128xf32, #tpu.memory_space<hbm>>) dst(%arg13 : memref<10240x128xf32, #tpu.memory_space<vmem_shared>>)
        tpu.yield
      }) : () -> ()
    } else {
    }
    %barrier3A = arith.constant 0 : index
    tpu.barrier barrier_id(%barrier3A)
    %add3A_5 = arith.constant 0 : i32
    %add3A_6 = arith.addi %mul3A_2, %add3A_5 : i32
    %dma_start3A = arith.constant 0 : i32
    %dma_start3A_7 = tpu.memref_slice %arg3[%add3A_6, %dma_start3A] : memref<4000x80xi32, #tpu.memory_space<hbm>> -> memref<1x80xi32, #tpu.memory_space<hbm>>
    %dma_start3A_8 = tpu.memref_squeeze %dma_start3A_7 : memref<1x80xi32, #tpu.memory_space<hbm>> -> memref<80xi32, #tpu.memory_space<hbm>>
    %dma_start3A_9 = arith.constant 0 : i32
    %dma_start3A_10 = tpu.memref_slice %arg3[%add3A_6, %dma_start3A_9] : memref<4000x80xi32, #tpu.memory_space<hbm>> -> memref<1x80xi32, #tpu.memory_space<hbm>>
    %dma_start3A_11 = tpu.memref_squeeze %dma_start3A_10 : memref<1x80xi32, #tpu.memory_space<hbm>> -> memref<80xi32, #tpu.memory_space<hbm>>
    tpu.enqueue_dma source(%dma_start3A_11 : memref<80xi32, #tpu.memory_space<hbm>>) target(%arg7 : memref<80xi32, #tpu.memory_space<vmem>>) target_semaphore(%arg14 : memref<!tpu.dma_semaphore, #tpu.memory_space<semaphore_mem>>)
    %add3A_12 = arith.constant 0 : i32
    %add3A_13 = arith.addi %mul3A_2, %add3A_12 : i32
    %dma_start3A_14 = arith.constant 0 : i32
    %dma_start3A_15 = tpu.memref_slice %arg4[%add3A_13, %dma_start3A_14] : memref<4000x80xi32, #tpu.memory_space<hbm>> -> memref<1x80xi32, #tpu.memory_space<hbm>>
    %dma_start3A_16 = tpu.memref_squeeze %dma_start3A_15 : memref<1x80xi32, #tpu.memory_space<hbm>> -> memref<80xi32, #tpu.memory_space<hbm>>
    %dma_start3A_17 = arith.constant 0 : i32
    %dma_start3A_18 = tpu.memref_slice %arg4[%add3A_13, %dma_start3A_17] : memref<4000x80xi32, #tpu.memory_space<hbm>> -> memref<1x80xi32, #tpu.memory_space<hbm>>
    %dma_start3A_19 = tpu.memref_squeeze %dma_start3A_18 : memref<1x80xi32, #tpu.memory_space<hbm>> -> memref<80xi32, #tpu.memory_space<hbm>>
    tpu.enqueue_dma source(%dma_start3A_19 : memref<80xi32, #tpu.memory_space<hbm>>) target(%arg9 : memref<80xi32, #tpu.memory_space<vmem>>) target_semaphore(%arg16 : memref<!tpu.dma_semaphore, #tpu.memory_space<semaphore_mem>>)
    %add3A_20 = arith.constant 1 : i32
    %add3A_21 = arith.addi %mul3A_2, %add3A_20 : i32
    %dma_start3A_22 = arith.constant 0 : i32
    %dma_start3A_23 = tpu.memref_slice %arg3[%add3A_21, %dma_start3A_22] : memref<4000x80xi32, #tpu.memory_space<hbm>> -> memref<1x80xi32, #tpu.memory_space<hbm>>
    %dma_start3A_24 = tpu.memref_squeeze %dma_start3A_23 : memref<1x80xi32, #tpu.memory_space<hbm>> -> memref<80xi32, #tpu.memory_space<hbm>>
    %dma_start3A_25 = arith.constant 0 : i32
    %dma_start3A_26 = tpu.memref_slice %arg3[%add3A_21, %dma_start3A_25] : memref<4000x80xi32, #tpu.memory_space<hbm>> -> memref<1x80xi32, #tpu.memory_space<hbm>>
    %dma_start3A_27 = tpu.memref_squeeze %dma_start3A_26 : memref<1x80xi32, #tpu.memory_space<hbm>> -> memref<80xi32, #tpu.memory_space<hbm>>
    tpu.enqueue_dma source(%dma_start3A_27 : memref<80xi32, #tpu.memory_space<hbm>>) target(%arg8 : memref<80xi32, #tpu.memory_space<vmem>>) target_semaphore(%arg15 : memref<!tpu.dma_semaphore, #tpu.memory_space<semaphore_mem>>)
    %add3A_28 = arith.constant 1 : i32
    %add3A_29 = arith.addi %mul3A_2, %add3A_28 : i32
    %dma_start3A_30 = arith.constant 0 : i32
    %dma_start3A_31 = tpu.memref_slice %arg4[%add3A_29, %dma_start3A_30] : memref<4000x80xi32, #tpu.memory_space<hbm>> -> memref<1x80xi32, #tpu.memory_space<hbm>>
    %dma_start3A_32 = tpu.memref_squeeze %dma_start3A_31 : memref<1x80xi32, #tpu.memory_space<hbm>> -> memref<80xi32, #tpu.memory_space<hbm>>
    %dma_start3A_33 = arith.constant 0 : i32
    %dma_start3A_34 = tpu.memref_slice %arg4[%add3A_29, %dma_start3A_33] : memref<4000x80xi32, #tpu.memory_space<hbm>> -> memref<1x80xi32, #tpu.memory_space<hbm>>
    %dma_start3A_35 = tpu.memref_squeeze %dma_start3A_34 : memref<1x80xi32, #tpu.memory_space<hbm>> -> memref<80xi32, #tpu.memory_space<hbm>>
    tpu.enqueue_dma source(%dma_start3A_35 : memref<80xi32, #tpu.memory_space<hbm>>) target(%arg10 : memref<80xi32, #tpu.memory_space<vmem>>) target_semaphore(%arg17 : memref<!tpu.dma_semaphore, #tpu.memory_space<semaphore_mem>>)
    %add3A_36 = arith.constant 0 : i32
    %add3A_37 = arith.addi %mul3A_2, %add3A_36 : i32
    %dma_wait3A = arith.constant 0 : i32
    %dma_wait3A_38 = tpu.memref_slice %arg3[%add3A_37, %dma_wait3A] : memref<4000x80xi32, #tpu.memory_space<hbm>> -> memref<1x80xi32, #tpu.memory_space<hbm>>
    %dma_wait3A_39 = tpu.memref_squeeze %dma_wait3A_38 : memref<1x80xi32, #tpu.memory_space<hbm>> -> memref<80xi32, #tpu.memory_space<hbm>>
    %dma_wait3A_40 = arith.constant 0 : i32
    %dma_wait3A_41 = tpu.memref_slice %arg3[%add3A_37, %dma_wait3A_40] : memref<4000x80xi32, #tpu.memory_space<hbm>> -> memref<1x80xi32, #tpu.memory_space<hbm>>
    %dma_wait3A_42 = tpu.memref_squeeze %dma_wait3A_41 : memref<1x80xi32, #tpu.memory_space<hbm>> -> memref<80xi32, #tpu.memory_space<hbm>>
    tpu.wait_dma2 semaphore(%arg14 : memref<!tpu.dma_semaphore, #tpu.memory_space<semaphore_mem>>) src(%dma_wait3A_42 : memref<80xi32, #tpu.memory_space<hbm>>) dst(%arg7 : memref<80xi32, #tpu.memory_space<vmem>>)
    %dma_start3A_43 = arith.constant 0 : i32
    %dma_start3A_44 = arith.constant 0 : i32
    %dma_start3A_45 = tpu.memref_slice %arg2[%dma_start3A_43, %dma_start3A_44] : memref<10000x128xf32, #tpu.memory_space<hbm>> -> memref<10000x128xf32, #tpu.memory_space<hbm>>
    tpu.enqueue_indirect_dma source(%dma_start3A_45 : memref<10000x128xf32, #tpu.memory_space<hbm>>) target(%arg11 : memref<80x128xf32, #tpu.memory_space<vmem>>) offsets(%arg7 : memref<80xi32, #tpu.memory_space<vmem>>) semaphore(%arg18 : memref<!tpu.dma_semaphore, #tpu.memory_space<semaphore_mem>>)
    %scan3A = arith.constant 0 : i32
    %scan3A_46 = arith.constant 62 : i32
    %scan3A_47 = arith.addi %scan3A, %scan3A_46 : i32
    %scan3A_48 = arith.constant 1 : i32
    scf.for %scan3A_67 = %scan3A to %scan3A_47 step %scan3A_48  : i32 {
      %mul3A_68 = arith.constant 1 : i32
      %mul3A_69 = arith.muli %scan3A_67, %mul3A_68 : i32
      %add3A_70 = arith.constant 0 : i32
      %add3A_71 = arith.addi %add3A_70, %mul3A_69 : i32
      %mul3A_72 = arith.constant 2 : i32
      %mul3A_73 = arith.muli %mul3A_72, %add3A_71 : i32
      %dma_wait3A_74 = arith.constant 0 : i32
      %dma_wait3A_75 = arith.constant 0 : i32
      %dma_wait3A_76 = tpu.memref_slice %arg2[%dma_wait3A_74, %dma_wait3A_75] : memref<10000x128xf32, #tpu.memory_space<hbm>> -> memref<10000x128xf32, #tpu.memory_space<hbm>>
      tpu.wait_indirect_dma semaphore(%arg18 : memref<!tpu.dma_semaphore, #tpu.memory_space<semaphore_mem>>) src(%dma_wait3A_76 : memref<10000x128xf32, #tpu.memory_space<hbm>>) dst(%arg11 : memref<80x128xf32, #tpu.memory_space<vmem>>)
      %add3A_77 = arith.constant 1 : i32
      %add3A_78 = arith.addi %mul3A_73, %add3A_77 : i32
      %add3A_79 = arith.addi %mul3A_2, %add3A_78 : i32
      %dma_wait3A_80 = arith.constant 0 : i32
      %dma_wait3A_81 = tpu.memref_slice %arg3[%add3A_79, %dma_wait3A_80] : memref<4000x80xi32, #tpu.memory_space<hbm>> -> memref<1x80xi32, #tpu.memory_space<hbm>>
      %dma_wait3A_82 = tpu.memref_squeeze %dma_wait3A_81 : memref<1x80xi32, #tpu.memory_space<hbm>> -> memref<80xi32, #tpu.memory_space<hbm>>
      %dma_wait3A_83 = arith.constant 0 : i32
      %dma_wait3A_84 = tpu.memref_slice %arg3[%add3A_79, %dma_wait3A_83] : memref<4000x80xi32, #tpu.memory_space<hbm>> -> memref<1x80xi32, #tpu.memory_space<hbm>>
      %dma_wait3A_85 = tpu.memref_squeeze %dma_wait3A_84 : memref<1x80xi32, #tpu.memory_space<hbm>> -> memref<80xi32, #tpu.memory_space<hbm>>
      tpu.wait_dma2 semaphore(%arg15 : memref<!tpu.dma_semaphore, #tpu.memory_space<semaphore_mem>>) src(%dma_wait3A_85 : memref<80xi32, #tpu.memory_space<hbm>>) dst(%arg8 : memref<80xi32, #tpu.memory_space<vmem>>)
      %dma_start3A_86 = arith.constant 0 : i32
      %dma_start3A_87 = arith.constant 0 : i32
      %dma_start3A_88 = tpu.memref_slice %arg2[%dma_start3A_86, %dma_start3A_87] : memref<10000x128xf32, #tpu.memory_space<hbm>> -> memref<10000x128xf32, #tpu.memory_space<hbm>>
      tpu.enqueue_indirect_dma source(%dma_start3A_88 : memref<10000x128xf32, #tpu.memory_space<hbm>>) target(%arg12 : memref<80x128xf32, #tpu.memory_space<vmem>>) offsets(%arg8 : memref<80xi32, #tpu.memory_space<vmem>>) semaphore(%arg19 : memref<!tpu.dma_semaphore, #tpu.memory_space<semaphore_mem>>)
      %add3A_89 = arith.addi %mul3A_2, %mul3A_73 : i32
      %dma_wait3A_90 = arith.constant 0 : i32
      %dma_wait3A_91 = tpu.memref_slice %arg4[%add3A_89, %dma_wait3A_90] : memref<4000x80xi32, #tpu.memory_space<hbm>> -> memref<1x80xi32, #tpu.memory_space<hbm>>
      %dma_wait3A_92 = tpu.memref_squeeze %dma_wait3A_91 : memref<1x80xi32, #tpu.memory_space<hbm>> -> memref<80xi32, #tpu.memory_space<hbm>>
      %dma_wait3A_93 = arith.constant 0 : i32
      %dma_wait3A_94 = tpu.memref_slice %arg4[%add3A_89, %dma_wait3A_93] : memref<4000x80xi32, #tpu.memory_space<hbm>> -> memref<1x80xi32, #tpu.memory_space<hbm>>
      %dma_wait3A_95 = tpu.memref_squeeze %dma_wait3A_94 : memref<1x80xi32, #tpu.memory_space<hbm>> -> memref<80xi32, #tpu.memory_space<hbm>>
      tpu.wait_dma2 semaphore(%arg16 : memref<!tpu.dma_semaphore, #tpu.memory_space<semaphore_mem>>) src(%dma_wait3A_95 : memref<80xi32, #tpu.memory_space<hbm>>) dst(%arg9 : memref<80xi32, #tpu.memory_space<vmem>>)
      "tpu.region"() ({
        %run_scoped3A = tpu.sem_alloc : memref<!tpu.dma_semaphore, #tpu.memory_space<semaphore_mem>>
        %dma_start3A_137 = arith.constant 0 : i32
        %dma_start3A_138 = arith.constant 0 : i32
        %dma_start3A_139 = tpu.memref_slice %arg13[%dma_start3A_137, %dma_start3A_138] : memref<10240x128xf32, #tpu.memory_space<vmem_shared>> -> memref<10240x128xf32, #tpu.memory_space<vmem_shared>>
        tpu.enqueue_indirect_dma source(%arg11 : memref<80x128xf32, #tpu.memory_space<vmem>>) target(%dma_start3A_139 : memref<10240x128xf32, #tpu.memory_space<vmem_shared>>) offsets(%arg9 : memref<80xi32, #tpu.memory_space<vmem>>) semaphore(%run_scoped3A : memref<!tpu.dma_semaphore, #tpu.memory_space<semaphore_mem>>) {add = true}
        %dma_wait3A_140 = arith.constant 0 : i32
        %dma_wait3A_141 = arith.constant 0 : i32
        %dma_wait3A_142 = tpu.memref_slice %arg13[%dma_wait3A_140, %dma_wait3A_141] : memref<10240x128xf32, #tpu.memory_space<vmem_shared>> -> memref<10240x128xf32, #tpu.memory_space<vmem_shared>>
        tpu.wait_indirect_dma semaphore(%run_scoped3A : memref<!tpu.dma_semaphore, #tpu.memory_space<semaphore_mem>>) src(%arg11 : memref<80x128xf32, #tpu.memory_space<vmem>>) dst(%dma_wait3A_142 : memref<10240x128xf32, #tpu.memory_space<vmem_shared>>)
        tpu.yield
      }) : () -> ()
      %add3A_96 = arith.constant 2 : i32
      %add3A_97 = arith.addi %mul3A_73, %add3A_96 : i32
      %add3A_98 = arith.addi %mul3A_2, %add3A_97 : i32
      %dma_start3A_99 = arith.constant 0 : i32
      %dma_start3A_100 = tpu.memref_slice %arg3[%add3A_98, %dma_start3A_99] : memref<4000x80xi32, #tpu.memory_space<hbm>> -> memref<1x80xi32, #tpu.memory_space<hbm>>
      %dma_start3A_101 = tpu.memref_squeeze %dma_start3A_100 : memref<1x80xi32, #tpu.memory_space<hbm>> -> memref<80xi32, #tpu.memory_space<hbm>>
      %dma_start3A_102 = arith.constant 0 : i32
      %dma_start3A_103 = tpu.memref_slice %arg3[%add3A_98, %dma_start3A_102] : memref<4000x80xi32, #tpu.memory_space<hbm>> -> memref<1x80xi32, #tpu.memory_space<hbm>>
      %dma_start3A_104 = tpu.memref_squeeze %dma_start3A_103 : memref<1x80xi32, #tpu.memory_space<hbm>> -> memref<80xi32, #tpu.memory_space<hbm>>
      tpu.enqueue_dma source(%dma_start3A_104 : memref<80xi32, #tpu.memory_space<hbm>>) target(%arg7 : memref<80xi32, #tpu.memory_space<vmem>>) target_semaphore(%arg14 : memref<!tpu.dma_semaphore, #tpu.memory_space<semaphore_mem>>)
      %add3A_105 = arith.addi %mul3A_2, %add3A_97 : i32
      %dma_start3A_106 = arith.constant 0 : i32
      %dma_start3A_107 = tpu.memref_slice %arg4[%add3A_105, %dma_start3A_106] : memref<4000x80xi32, #tpu.memory_space<hbm>> -> memref<1x80xi32, #tpu.memory_space<hbm>>
      %dma_start3A_108 = tpu.memref_squeeze %dma_start3A_107 : memref<1x80xi32, #tpu.memory_space<hbm>> -> memref<80xi32, #tpu.memory_space<hbm>>
      %dma_start3A_109 = arith.constant 0 : i32
      %dma_start3A_110 = tpu.memref_slice %arg4[%add3A_105, %dma_start3A_109] : memref<4000x80xi32, #tpu.memory_space<hbm>> -> memref<1x80xi32, #tpu.memory_space<hbm>>
      %dma_start3A_111 = tpu.memref_squeeze %dma_start3A_110 : memref<1x80xi32, #tpu.memory_space<hbm>> -> memref<80xi32, #tpu.memory_space<hbm>>
      tpu.enqueue_dma source(%dma_start3A_111 : memref<80xi32, #tpu.memory_space<hbm>>) target(%arg9 : memref<80xi32, #tpu.memory_space<vmem>>) target_semaphore(%arg16 : memref<!tpu.dma_semaphore, #tpu.memory_space<semaphore_mem>>)
      %dma_wait3A_112 = arith.constant 0 : i32
      %dma_wait3A_113 = arith.constant 0 : i32
      %dma_wait3A_114 = tpu.memref_slice %arg2[%dma_wait3A_112, %dma_wait3A_113] : memref<10000x128xf32, #tpu.memory_space<hbm>> -> memref<10000x128xf32, #tpu.memory_space<hbm>>
      tpu.wait_indirect_dma semaphore(%arg19 : memref<!tpu.dma_semaphore, #tpu.memory_space<semaphore_mem>>) src(%dma_wait3A_114 : memref<10000x128xf32, #tpu.memory_space<hbm>>) dst(%arg12 : memref<80x128xf32, #tpu.memory_space<vmem>>)
      %add3A_115 = arith.constant 2 : i32
      %add3A_116 = arith.addi %mul3A_73, %add3A_115 : i32
      %lt3A = arith.constant 125 : i32
      %lt3A_117 = arith.cmpi slt, %add3A_116, %lt3A : i32
      %convert_element_type3A_118 = arith.extui %lt3A_117 : i1 to i32
      %cond3A_119 = arith.constant 0 : i32
      %cond3A_120 = arith.cmpi ne, %convert_element_type3A_118, %cond3A_119 : i32
      scf.if %cond3A_120 {
        %add3A_137 = arith.constant 2 : i32
        %add3A_138 = arith.addi %mul3A_73, %add3A_137 : i32
        %add3A_139 = arith.addi %mul3A_2, %add3A_138 : i32
        %dma_wait3A_140 = arith.constant 0 : i32
        %dma_wait3A_141 = tpu.memref_slice %arg3[%add3A_139, %dma_wait3A_140] : memref<4000x80xi32, #tpu.memory_space<hbm>> -> memref<1x80xi32, #tpu.memory_space<hbm>>
        %dma_wait3A_142 = tpu.memref_squeeze %dma_wait3A_141 : memref<1x80xi32, #tpu.memory_space<hbm>> -> memref<80xi32, #tpu.memory_space<hbm>>
        %dma_wait3A_143 = arith.constant 0 : i32
        %dma_wait3A_144 = tpu.memref_slice %arg3[%add3A_139, %dma_wait3A_143] : memref<4000x80xi32, #tpu.memory_space<hbm>> -> memref<1x80xi32, #tpu.memory_space<hbm>>
        %dma_wait3A_145 = tpu.memref_squeeze %dma_wait3A_144 : memref<1x80xi32, #tpu.memory_space<hbm>> -> memref<80xi32, #tpu.memory_space<hbm>>
        tpu.wait_dma2 semaphore(%arg14 : memref<!tpu.dma_semaphore, #tpu.memory_space<semaphore_mem>>) src(%dma_wait3A_145 : memref<80xi32, #tpu.memory_space<hbm>>) dst(%arg7 : memref<80xi32, #tpu.memory_space<vmem>>)
        %dma_start3A_146 = arith.constant 0 : i32
        %dma_start3A_147 = arith.constant 0 : i32
        %dma_start3A_148 = tpu.memref_slice %arg2[%dma_start3A_146, %dma_start3A_147] : memref<10000x128xf32, #tpu.memory_space<hbm>> -> memref<10000x128xf32, #tpu.memory_space<hbm>>
        tpu.enqueue_indirect_dma source(%dma_start3A_148 : memref<10000x128xf32, #tpu.memory_space<hbm>>) target(%arg11 : memref<80x128xf32, #tpu.memory_space<vmem>>) offsets(%arg7 : memref<80xi32, #tpu.memory_space<vmem>>) semaphore(%arg18 : memref<!tpu.dma_semaphore, #tpu.memory_space<semaphore_mem>>)
      } else {
      }
      %add3A_121 = arith.constant 1 : i32
      %add3A_122 = arith.addi %mul3A_73, %add3A_121 : i32
      %add3A_123 = arith.addi %mul3A_2, %add3A_122 : i32
      %dma_wait3A_124 = arith.constant 0 : i32
      %dma_wait3A_125 = tpu.memref_slice %arg4[%add3A_123, %dma_wait3A_124] : memref<4000x80xi32, #tpu.memory_space<hbm>> -> memref<1x80xi32, #tpu.memory_space<hbm>>
      %dma_wait3A_126 = tpu.memref_squeeze %dma_wait3A_125 : memref<1x80xi32, #tpu.memory_space<hbm>> -> memref<80xi32, #tpu.memory_space<hbm>>
      %dma_wait3A_127 = arith.constant 0 : i32
      %dma_wait3A_128 = tpu.memref_slice %arg4[%add3A_123, %dma_wait3A_127] : memref<4000x80xi32, #tpu.memory_space<hbm>> -> memref<1x80xi32, #tpu.memory_space<hbm>>
      %dma_wait3A_129 = tpu.memref_squeeze %dma_wait3A_128 : memref<1x80xi32, #tpu.memory_space<hbm>> -> memref<80xi32, #tpu.memory_space<hbm>>
      tpu.wait_dma2 semaphore(%arg17 : memref<!tpu.dma_semaphore, #tpu.memory_space<semaphore_mem>>) src(%dma_wait3A_129 : memref<80xi32, #tpu.memory_space<hbm>>) dst(%arg10 : memref<80xi32, #tpu.memory_space<vmem>>)
      "tpu.region"() ({
        %run_scoped3A = tpu.sem_alloc : memref<!tpu.dma_semaphore, #tpu.memory_space<semaphore_mem>>
        %dma_start3A_137 = arith.constant 0 : i32
        %dma_start3A_138 = arith.constant 0 : i32
        %dma_start3A_139 = tpu.memref_slice %arg13[%dma_start3A_137, %dma_start3A_138] : memref<10240x128xf32, #tpu.memory_space<vmem_shared>> -> memref<10240x128xf32, #tpu.memory_space<vmem_shared>>
        tpu.enqueue_indirect_dma source(%arg12 : memref<80x128xf32, #tpu.memory_space<vmem>>) target(%dma_start3A_139 : memref<10240x128xf32, #tpu.memory_space<vmem_shared>>) offsets(%arg10 : memref<80xi32, #tpu.memory_space<vmem>>) semaphore(%run_scoped3A : memref<!tpu.dma_semaphore, #tpu.memory_space<semaphore_mem>>) {add = true}
        %dma_wait3A_140 = arith.constant 0 : i32
        %dma_wait3A_141 = arith.constant 0 : i32
        %dma_wait3A_142 = tpu.memref_slice %arg13[%dma_wait3A_140, %dma_wait3A_141] : memref<10240x128xf32, #tpu.memory_space<vmem_shared>> -> memref<10240x128xf32, #tpu.memory_space<vmem_shared>>
        tpu.wait_indirect_dma semaphore(%run_scoped3A : memref<!tpu.dma_semaphore, #tpu.memory_space<semaphore_mem>>) src(%arg12 : memref<80x128xf32, #tpu.memory_space<vmem>>) dst(%dma_wait3A_142 : memref<10240x128xf32, #tpu.memory_space<vmem_shared>>)
        tpu.yield
      }) : () -> ()
      %add3A_130 = arith.constant 3 : i32
      %add3A_131 = arith.addi %mul3A_73, %add3A_130 : i32
      %lt3A_132 = arith.constant 125 : i32
      %lt3A_133 = arith.cmpi slt, %add3A_131, %lt3A_132 : i32
      %convert_element_type3A_134 = arith.extui %lt3A_133 : i1 to i32
      %cond3A_135 = arith.constant 0 : i32
      %cond3A_136 = arith.cmpi ne, %convert_element_type3A_134, %cond3A_135 : i32
      scf.if %cond3A_136 {
        %add3A_137 = arith.constant 3 : i32
        %add3A_138 = arith.addi %mul3A_73, %add3A_137 : i32
        %add3A_139 = arith.addi %mul3A_2, %add3A_138 : i32
        %dma_start3A_140 = arith.constant 0 : i32
        %dma_start3A_141 = tpu.memref_slice %arg3[%add3A_139, %dma_start3A_140] : memref<4000x80xi32, #tpu.memory_space<hbm>> -> memref<1x80xi32, #tpu.memory_space<hbm>>
        %dma_start3A_142 = tpu.memref_squeeze %dma_start3A_141 : memref<1x80xi32, #tpu.memory_space<hbm>> -> memref<80xi32, #tpu.memory_space<hbm>>
        %dma_start3A_143 = arith.constant 0 : i32
        %dma_start3A_144 = tpu.memref_slice %arg3[%add3A_139, %dma_start3A_143] : memref<4000x80xi32, #tpu.memory_space<hbm>> -> memref<1x80xi32, #tpu.memory_space<hbm>>
        %dma_start3A_145 = tpu.memref_squeeze %dma_start3A_144 : memref<1x80xi32, #tpu.memory_space<hbm>> -> memref<80xi32, #tpu.memory_space<hbm>>
        tpu.enqueue_dma source(%dma_start3A_145 : memref<80xi32, #tpu.memory_space<hbm>>) target(%arg8 : memref<80xi32, #tpu.memory_space<vmem>>) target_semaphore(%arg15 : memref<!tpu.dma_semaphore, #tpu.memory_space<semaphore_mem>>)
        %add3A_146 = arith.addi %mul3A_2, %add3A_138 : i32
        %dma_start3A_147 = arith.constant 0 : i32
        %dma_start3A_148 = tpu.memref_slice %arg4[%add3A_146, %dma_start3A_147] : memref<4000x80xi32, #tpu.memory_space<hbm>> -> memref<1x80xi32, #tpu.memory_space<hbm>>
        %dma_start3A_149 = tpu.memref_squeeze %dma_start3A_148 : memref<1x80xi32, #tpu.memory_space<hbm>> -> memref<80xi32, #tpu.memory_space<hbm>>
        %dma_start3A_150 = arith.constant 0 : i32
        %dma_start3A_151 = tpu.memref_slice %arg4[%add3A_146, %dma_start3A_150] : memref<4000x80xi32, #tpu.memory_space<hbm>> -> memref<1x80xi32, #tpu.memory_space<hbm>>
        %dma_start3A_152 = tpu.memref_squeeze %dma_start3A_151 : memref<1x80xi32, #tpu.memory_space<hbm>> -> memref<80xi32, #tpu.memory_space<hbm>>
        tpu.enqueue_dma source(%dma_start3A_152 : memref<80xi32, #tpu.memory_space<hbm>>) target(%arg10 : memref<80xi32, #tpu.memory_space<vmem>>) target_semaphore(%arg17 : memref<!tpu.dma_semaphore, #tpu.memory_space<semaphore_mem>>)
      } else {
      }
    }
    %scan3A_49 = arith.constant 62 : i32
    %dma_wait3A_50 = arith.constant 0 : i32
    %dma_wait3A_51 = arith.constant 0 : i32
    %dma_wait3A_52 = tpu.memref_slice %arg2[%dma_wait3A_50, %dma_wait3A_51] : memref<10000x128xf32, #tpu.memory_space<hbm>> -> memref<10000x128xf32, #tpu.memory_space<hbm>>
    tpu.wait_indirect_dma semaphore(%arg18 : memref<!tpu.dma_semaphore, #tpu.memory_space<semaphore_mem>>) src(%dma_wait3A_52 : memref<10000x128xf32, #tpu.memory_space<hbm>>) dst(%arg11 : memref<80x128xf32, #tpu.memory_space<vmem>>)
    %add3A_53 = arith.constant 124 : i32
    %add3A_54 = arith.addi %mul3A_2, %add3A_53 : i32
    %dma_wait3A_55 = arith.constant 0 : i32
    %dma_wait3A_56 = tpu.memref_slice %arg4[%add3A_54, %dma_wait3A_55] : memref<4000x80xi32, #tpu.memory_space<hbm>> -> memref<1x80xi32, #tpu.memory_space<hbm>>
    %dma_wait3A_57 = tpu.memref_squeeze %dma_wait3A_56 : memref<1x80xi32, #tpu.memory_space<hbm>> -> memref<80xi32, #tpu.memory_space<hbm>>
    %dma_wait3A_58 = arith.constant 0 : i32
    %dma_wait3A_59 = tpu.memref_slice %arg4[%add3A_54, %dma_wait3A_58] : memref<4000x80xi32, #tpu.memory_space<hbm>> -> memref<1x80xi32, #tpu.memory_space<hbm>>
    %dma_wait3A_60 = tpu.memref_squeeze %dma_wait3A_59 : memref<1x80xi32, #tpu.memory_space<hbm>> -> memref<80xi32, #tpu.memory_space<hbm>>
    tpu.wait_dma2 semaphore(%arg16 : memref<!tpu.dma_semaphore, #tpu.memory_space<semaphore_mem>>) src(%dma_wait3A_60 : memref<80xi32, #tpu.memory_space<hbm>>) dst(%arg9 : memref<80xi32, #tpu.memory_space<vmem>>)
    "tpu.region"() ({
      %run_scoped3A = tpu.sem_alloc : memref<!tpu.dma_semaphore, #tpu.memory_space<semaphore_mem>>
      %dma_start3A_67 = arith.constant 0 : i32
      %dma_start3A_68 = arith.constant 0 : i32
      %dma_start3A_69 = tpu.memref_slice %arg13[%dma_start3A_67, %dma_start3A_68] : memref<10240x128xf32, #tpu.memory_space<vmem_shared>> -> memref<10240x128xf32, #tpu.memory_space<vmem_shared>>
      tpu.enqueue_indirect_dma source(%arg11 : memref<80x128xf32, #tpu.memory_space<vmem>>) target(%dma_start3A_69 : memref<10240x128xf32, #tpu.memory_space<vmem_shared>>) offsets(%arg9 : memref<80xi32, #tpu.memory_space<vmem>>) semaphore(%run_scoped3A : memref<!tpu.dma_semaphore, #tpu.memory_space<semaphore_mem>>) {add = true}
      %dma_wait3A_70 = arith.constant 0 : i32
      %dma_wait3A_71 = arith.constant 0 : i32
      %dma_wait3A_72 = tpu.memref_slice %arg13[%dma_wait3A_70, %dma_wait3A_71] : memref<10240x128xf32, #tpu.memory_space<vmem_shared>> -> memref<10240x128xf32, #tpu.memory_space<vmem_shared>>
      tpu.wait_indirect_dma semaphore(%run_scoped3A : memref<!tpu.dma_semaphore, #tpu.memory_space<semaphore_mem>>) src(%arg11 : memref<80x128xf32, #tpu.memory_space<vmem>>) dst(%dma_wait3A_72 : memref<10240x128xf32, #tpu.memory_space<vmem_shared>>)
      tpu.yield
    }) : () -> ()
    %barrier3A_61 = arith.constant 0 : index
    tpu.barrier barrier_id(%barrier3A_61)
    %eq3A_62 = arith.constant 0 : i32
    %eq3A_63 = arith.cmpi eq, %arg1, %eq3A_62 : i32
    %convert_element_type3A_64 = arith.extui %eq3A_63 : i1 to i32
    %cond3A_65 = arith.constant 0 : i32
    %cond3A_66 = arith.cmpi ne, %convert_element_type3A_64, %cond3A_65 : i32
    scf.if %cond3A_66 {
      "tpu.region"() ({
        %run_scoped3A = tpu.sem_alloc : memref<!tpu.dma_semaphore, #tpu.memory_space<semaphore_mem>>
        %dma_start3A_67 = arith.constant 0 : i32
        %dma_start3A_68 = arith.constant 0 : i32
        %dma_start3A_69 = tpu.memref_slice %arg6[%arg0, %dma_start3A_67, %dma_start3A_68] : memref<2x10240x128xf32, #tpu.memory_space<hbm>> -> memref<1x10240x128xf32, #tpu.memory_space<hbm>>
        %dma_start3A_70 = tpu.memref_squeeze %dma_start3A_69 : memref<1x10240x128xf32, #tpu.memory_space<hbm>> -> memref<10240x128xf32, #tpu.memory_space<hbm>>
        tpu.enqueue_dma source(%arg13 : memref<10240x128xf32, #tpu.memory_space<vmem_shared>>) target(%dma_start3A_70 : memref<10240x128xf32, #tpu.memory_space<hbm>>) target_semaphore(%run_scoped3A : memref<!tpu.dma_semaphore, #tpu.memory_space<semaphore_mem>>)
        %dma_wait3A_71 = arith.constant 0 : i32
        %dma_wait3A_72 = arith.constant 0 : i32
        %dma_wait3A_73 = tpu.memref_slice %arg6[%arg0, %dma_wait3A_71, %dma_wait3A_72] : memref<2x10240x128xf32, #tpu.memory_space<hbm>> -> memref<1x10240x128xf32, #tpu.memory_space<hbm>>
        %dma_wait3A_74 = tpu.memref_squeeze %dma_wait3A_73 : memref<1x10240x128xf32, #tpu.memory_space<hbm>> -> memref<10240x128xf32, #tpu.memory_space<hbm>>
        tpu.wait_dma2 semaphore(%run_scoped3A : memref<!tpu.dma_semaphore, #tpu.memory_space<semaphore_mem>>) src(%arg13 : memref<10240x128xf32, #tpu.memory_space<vmem_shared>>) dst(%dma_wait3A_74 : memref<10240x128xf32, #tpu.memory_space<hbm>>)
        tpu.yield
      }) : () -> ()
    } else {
    }
    return
  }
}

#map = affine_map<(d0, d1) -> (0, 0, 0)>
#map1 = affine_map<(d0, d1) -> (0)>
#map2 = affine_map<(d0, d1) -> (0, 0)>
module attributes {stable_mosaic.version = 14 : i64} {
  func.func @k(%arg0: i32, %arg1: i32, %arg2: memref<32x125x80xi32, #tpu.memory_space<hbm>>, %arg3: memref<10240xf32, #tpu.memory_space<hbm>>, %arg4: memref<2x10240xf32, #tpu.memory_space<hbm>>, %arg5: memref<125x80xi32, #tpu.memory_space<vmem>>, %arg6: memref<80xf32, #tpu.memory_space<vmem>>, %arg7: memref<10240xf32, #tpu.memory_space<vmem_shared>>) attributes {dimension_semantics = [#tpu.dimension_semantics<core_parallel>, #tpu.dimension_semantics<subcore_parallel>], iteration_bounds = array<i64: 2, 16>, scalar_prefetch = 0 : i64, scratch_operands = 3 : i64, tpu.core_type = #tpu.core_type<sc_vector_subcore>, window_params = [{transform_indices = #map}, {transform_indices = #map1}, {transform_indices = #map2}]} {
    %mul3A = arith.constant 16 : i32
    %mul3A_0 = arith.muli %arg0, %mul3A : i32
    %add3A = arith.addi %mul3A_0, %arg1 : i32
    %scan3A = arith.constant 0 : i32
    %scan3A_1 = arith.constant 5 : i32
    %scan3A_2 = arith.addi %scan3A, %scan3A_1 : i32
    %scan3A_3 = arith.constant 1 : i32
    scf.for %scan3A_18 = %scan3A to %scan3A_2 step %scan3A_3  : i32 {
      %mul3A_19 = arith.constant 1 : i32
      %mul3A_20 = arith.muli %scan3A_18, %mul3A_19 : i32
      %add3A_21 = arith.constant 0 : i32
      %add3A_22 = arith.addi %add3A_21, %mul3A_20 : i32
      %broadcast_in_dim3A = arith.constant 1.000000e+00 : f32
      %broadcast_in_dim3A_23 = vector.broadcast %broadcast_in_dim3A : f32 to vector<16xf32>
      %mul3A_24 = arith.constant 16 : i32
      %mul3A_25 = arith.muli %add3A_22, %mul3A_24 : i32
      %swap3A = arith.index_cast %mul3A_25 : i32 to index
      %swap3A_26 = tpu.vector_load %arg6[%swap3A] {strides = array<i32>} : memref<80xf32, #tpu.memory_space<vmem>>, vector<16xf32>,
      %swap3A_27 = vector.shape_cast %swap3A_26 : vector<16xf32> to vector<16xf32>
      %swap3A_28 = vector.shape_cast %broadcast_in_dim3A_23 : vector<16xf32> to vector<16xf32>
      tpu.vector_store %arg6[%swap3A], %swap3A_28 {strides = array<i32>} : memref<80xf32, #tpu.memory_space<vmem>>, vector<16xf32>,
    }
    %scan3A_4 = arith.constant 5 : i32
    %eq3A = arith.constant 0 : i32
    %eq3A_5 = arith.cmpi eq, %arg1, %eq3A : i32
    %convert_element_type3A = arith.extui %eq3A_5 : i1 to i32
    %cond3A = arith.constant 0 : i32
    %cond3A_6 = arith.cmpi ne, %convert_element_type3A, %cond3A : i32
    scf.if %cond3A_6 {
      "tpu.region"() ({
        %run_scoped3A = tpu.sem_alloc : memref<!tpu.dma_semaphore, #tpu.memory_space<semaphore_mem>>
        tpu.enqueue_dma source(%arg3 : memref<10240xf32, #tpu.memory_space<hbm>>) target(%arg7 : memref<10240xf32, #tpu.memory_space<vmem_shared>>) target_semaphore(%run_scoped3A : memref<!tpu.dma_semaphore, #tpu.memory_space<semaphore_mem>>)
        tpu.wait_dma2 semaphore(%run_scoped3A : memref<!tpu.dma_semaphore, #tpu.memory_space<semaphore_mem>>) src(%arg3 : memref<10240xf32, #tpu.memory_space<hbm>>) dst(%arg7 : memref<10240xf32, #tpu.memory_space<vmem_shared>>)
        tpu.yield
      }) : () -> ()
    } else {
    }
    "tpu.region"() ({
      %run_scoped3A = tpu.sem_alloc : memref<!tpu.dma_semaphore, #tpu.memory_space<semaphore_mem>>
      %dma_start3A = arith.constant 0 : i32
      %dma_start3A_18 = arith.constant 0 : i32
      %dma_start3A_19 = tpu.memref_slice %arg2[%add3A, %dma_start3A, %dma_start3A_18] : memref<32x125x80xi32, #tpu.memory_space<hbm>> -> memref<1x125x80xi32, #tpu.memory_space<hbm>>
      %dma_start3A_20 = tpu.memref_squeeze %dma_start3A_19 : memref<1x125x80xi32, #tpu.memory_space<hbm>> -> memref<125x80xi32, #tpu.memory_space<hbm>>
      %dma_start3A_21 = arith.constant 0 : i32
      %dma_start3A_22 = arith.constant 0 : i32
      %dma_start3A_23 = tpu.memref_slice %arg2[%add3A, %dma_start3A_21, %dma_start3A_22] : memref<32x125x80xi32, #tpu.memory_space<hbm>> -> memref<1x125x80xi32, #tpu.memory_space<hbm>>
      %dma_start3A_24 = tpu.memref_squeeze %dma_start3A_23 : memref<1x125x80xi32, #tpu.memory_space<hbm>> -> memref<125x80xi32, #tpu.memory_space<hbm>>
      tpu.enqueue_dma source(%dma_start3A_24 : memref<125x80xi32, #tpu.memory_space<hbm>>) target(%arg5 : memref<125x80xi32, #tpu.memory_space<vmem>>) target_semaphore(%run_scoped3A : memref<!tpu.dma_semaphore, #tpu.memory_space<semaphore_mem>>)
      %dma_wait3A = arith.constant 0 : i32
      %dma_wait3A_25 = arith.constant 0 : i32
      %dma_wait3A_26 = tpu.memref_slice %arg2[%add3A, %dma_wait3A, %dma_wait3A_25] : memref<32x125x80xi32, #tpu.memory_space<hbm>> -> memref<1x125x80xi32, #tpu.memory_space<hbm>>
      %dma_wait3A_27 = tpu.memref_squeeze %dma_wait3A_26 : memref<1x125x80xi32, #tpu.memory_space<hbm>> -> memref<125x80xi32, #tpu.memory_space<hbm>>
      %dma_wait3A_28 = arith.constant 0 : i32
      %dma_wait3A_29 = arith.constant 0 : i32
      %dma_wait3A_30 = tpu.memref_slice %arg2[%add3A, %dma_wait3A_28, %dma_wait3A_29] : memref<32x125x80xi32, #tpu.memory_space<hbm>> -> memref<1x125x80xi32, #tpu.memory_space<hbm>>
      %dma_wait3A_31 = tpu.memref_squeeze %dma_wait3A_30 : memref<1x125x80xi32, #tpu.memory_space<hbm>> -> memref<125x80xi32, #tpu.memory_space<hbm>>
      tpu.wait_dma2 semaphore(%run_scoped3A : memref<!tpu.dma_semaphore, #tpu.memory_space<semaphore_mem>>) src(%dma_wait3A_31 : memref<125x80xi32, #tpu.memory_space<hbm>>) dst(%arg5 : memref<125x80xi32, #tpu.memory_space<vmem>>)
      tpu.yield
    }) : () -> ()
    %barrier3A = arith.constant 0 : index
    tpu.barrier barrier_id(%barrier3A)
    %scan3A_7 = arith.constant 0 : i32
    %scan3A_8 = arith.constant 125 : i32
    %scan3A_9 = arith.addi %scan3A_7, %scan3A_8 : i32
    %scan3A_10 = arith.constant 1 : i32
    scf.for %scan3A_18 = %scan3A_7 to %scan3A_9 step %scan3A_10  : i32 {
      %mul3A_19 = arith.constant 1 : i32
      %mul3A_20 = arith.muli %scan3A_18, %mul3A_19 : i32
      %add3A_21 = arith.constant 0 : i32
      %add3A_22 = arith.addi %add3A_21, %mul3A_20 : i32
      "tpu.region"() ({
        %run_scoped3A = tpu.sem_alloc : memref<!tpu.dma_semaphore, #tpu.memory_space<semaphore_mem>>
        %dma_start3A = arith.constant 0 : i32
        %dma_start3A_23 = tpu.memref_slice %arg5[%add3A_22, %dma_start3A] : memref<125x80xi32, #tpu.memory_space<vmem>> -> memref<1x80xi32, #tpu.memory_space<vmem>>
        %dma_start3A_24 = tpu.memref_squeeze %dma_start3A_23 : memref<1x80xi32, #tpu.memory_space<vmem>> -> memref<80xi32, #tpu.memory_space<vmem>>
        %dma_start3A_25 = arith.constant 0 : i32
        %dma_start3A_26 = tpu.memref_slice %arg7[%dma_start3A_25] : memref<10240xf32, #tpu.memory_space<vmem_shared>> -> memref<10240xf32, #tpu.memory_space<vmem_shared>>
        tpu.enqueue_indirect_dma source(%arg6 : memref<80xf32, #tpu.memory_space<vmem>>) target(%dma_start3A_26 : memref<10240xf32, #tpu.memory_space<vmem_shared>>) offsets(%dma_start3A_24 : memref<80xi32, #tpu.memory_space<vmem>>) semaphore(%run_scoped3A : memref<!tpu.dma_semaphore, #tpu.memory_space<semaphore_mem>>) {add = true}
        %dma_wait3A = arith.constant 0 : i32
        %dma_wait3A_27 = tpu.memref_slice %arg5[%add3A_22, %dma_wait3A] : memref<125x80xi32, #tpu.memory_space<vmem>> -> memref<1x80xi32, #tpu.memory_space<vmem>>
        %dma_wait3A_28 = tpu.memref_squeeze %dma_wait3A_27 : memref<1x80xi32, #tpu.memory_space<vmem>> -> memref<80xi32, #tpu.memory_space<vmem>>
        %dma_wait3A_29 = arith.constant 0 : i32
        %dma_wait3A_30 = tpu.memref_slice %arg7[%dma_wait3A_29] : memref<10240xf32, #tpu.memory_space<vmem_shared>> -> memref<10240xf32, #tpu.memory_space<vmem_shared>>
        tpu.wait_indirect_dma semaphore(%run_scoped3A : memref<!tpu.dma_semaphore, #tpu.memory_space<semaphore_mem>>) src(%arg6 : memref<80xf32, #tpu.memory_space<vmem>>) dst(%dma_wait3A_30 : memref<10240xf32, #tpu.memory_space<vmem_shared>>)
        tpu.yield
      }) : () -> ()
    }
    %scan3A_11 = arith.constant 125 : i32
    %barrier3A_12 = arith.constant 0 : index
    tpu.barrier barrier_id(%barrier3A_12)
    %eq3A_13 = arith.constant 0 : i32
    %eq3A_14 = arith.cmpi eq, %arg1, %eq3A_13 : i32
    %convert_element_type3A_15 = arith.extui %eq3A_14 : i1 to i32
    %cond3A_16 = arith.constant 0 : i32
    %cond3A_17 = arith.cmpi ne, %convert_element_type3A_15, %cond3A_16 : i32
    scf.if %cond3A_17 {
      "tpu.region"() ({
        %run_scoped3A = tpu.sem_alloc : memref<!tpu.dma_semaphore, #tpu.memory_space<semaphore_mem>>
        %dma_start3A = arith.constant 0 : i32
        %dma_start3A_18 = tpu.memref_slice %arg4[%arg0, %dma_start3A] : memref<2x10240xf32, #tpu.memory_space<hbm>> -> memref<1x10240xf32, #tpu.memory_space<hbm>>
        %dma_start3A_19 = tpu.memref_squeeze %dma_start3A_18 : memref<1x10240xf32, #tpu.memory_space<hbm>> -> memref<10240xf32, #tpu.memory_space<hbm>>
        tpu.enqueue_dma source(%arg7 : memref<10240xf32, #tpu.memory_space<vmem_shared>>) target(%dma_start3A_19 : memref<10240xf32, #tpu.memory_space<hbm>>) target_semaphore(%run_scoped3A : memref<!tpu.dma_semaphore, #tpu.memory_space<semaphore_mem>>)
        %dma_wait3A = arith.constant 0 : i32
        %dma_wait3A_20 = tpu.memref_slice %arg4[%arg0, %dma_wait3A] : memref<2x10240xf32, #tpu.memory_space<hbm>> -> memref<1x10240xf32, #tpu.memory_space<hbm>>
        %dma_wait3A_21 = tpu.memref_squeeze %dma_wait3A_20 : memref<1x10240xf32, #tpu.memory_space<hbm>> -> memref<10240xf32, #tpu.memory_space<hbm>>
        tpu.wait_dma2 semaphore(%run_scoped3A : memref<!tpu.dma_semaphore, #tpu.memory_space<semaphore_mem>>) src(%arg7 : memref<10240xf32, #tpu.memory_space<vmem_shared>>) dst(%dma_wait3A_21 : memref<10240xf32, #tpu.memory_space<hbm>>)
        tpu.yield
      }) : () -> ()
    } else {
    }
    return
  }
}

#map = affine_map<(d0, d1) -> (0, 0)>
#map1 = affine_map<(d0, d1) -> (0, 0, 0)>
module attributes {stable_mosaic.version = 14 : i64} {
  func.func @k(%arg0: i32, %arg1: i32, %arg2: memref<10000x128xf32, #tpu.memory_space<hbm>>, %arg3: memref<4000x80xi32, #tpu.memory_space<hbm>>, %arg4: memref<4000x80xi32, #tpu.memory_space<hbm>>, %arg5: memref<10240x128xf32, #tpu.memory_space<hbm>>, %arg6: memref<2x10240x128xf32, #tpu.memory_space<hbm>>, %arg7: memref<80xi32, #tpu.memory_space<vmem>>, %arg8: memref<80xi32, #tpu.memory_space<vmem>>, %arg9: memref<80xi32, #tpu.memory_space<vmem>>, %arg10: memref<80xi32, #tpu.memory_space<vmem>>, %arg11: memref<80x128xf32, #tpu.memory_space<vmem>>, %arg12: memref<80x128xf32, #tpu.memory_space<vmem>>, %arg13: memref<10240x128xf32, #tpu.memory_space<vmem_shared>>, %arg14: memref<!tpu.dma_semaphore, #tpu.memory_space<semaphore_mem>>, %arg15: memref<!tpu.dma_semaphore, #tpu.memory_space<semaphore_mem>>, %arg16: memref<!tpu.dma_semaphore, #tpu.memory_space<semaphore_mem>>, %arg17: memref<!tpu.dma_semaphore, #tpu.memory_space<semaphore_mem>>, %arg18: memref<!tpu.dma_semaphore, #tpu.memory_space<semaphore_mem>>, %arg19: memref<!tpu.dma_semaphore, #tpu.memory_space<semaphore_mem>>) attributes {dimension_semantics = [#tpu.dimension_semantics<core_parallel>, #tpu.dimension_semantics<subcore_parallel>], iteration_bounds = array<i64: 2, 16>, scalar_prefetch = 0 : i64, scratch_operands = 13 : i64, tpu.core_type = #tpu.core_type<sc_vector_subcore>, window_params = [{transform_indices = #map}, {transform_indices = #map}, {transform_indices = #map}, {transform_indices = #map}, {transform_indices = #map1}]} {
    %mul3A = arith.constant 16 : i32
    %mul3A_0 = arith.muli %arg0, %mul3A : i32
    %add3A = arith.addi %mul3A_0, %arg1 : i32
    %mul3A_1 = arith.constant 125 : i32
    %mul3A_2 = arith.muli %add3A, %mul3A_1 : i32
    %eq3A = arith.constant 0 : i32
    %eq3A_3 = arith.cmpi eq, %arg1, %eq3A : i32
    %convert_element_type3A = arith.extui %eq3A_3 : i1 to i32
    %cond3A = arith.constant 0 : i32
    %cond3A_4 = arith.cmpi ne, %convert_element_type3A, %cond3A : i32
    scf.if %cond3A_4 {
      "tpu.region"() ({
        %run_scoped3A = tpu.sem_alloc : memref<!tpu.dma_semaphore, #tpu.memory_space<semaphore_mem>>
        tpu.enqueue_dma source(%arg5 : memref<10240x128xf32, #tpu.memory_space<hbm>>) target(%arg13 : memref<10240x128xf32, #tpu.memory_space<vmem_shared>>) target_semaphore(%run_scoped3A : memref<!tpu.dma_semaphore, #tpu.memory_space<semaphore_mem>>)
        tpu.wait_dma2 semaphore(%run_scoped3A : memref<!tpu.dma_semaphore, #tpu.memory_space<semaphore_mem>>) src(%arg5 : memref<10240x128xf32, #tpu.memory_space<hbm>>) dst(%arg13 : memref<10240x128xf32, #tpu.memory_space<vmem_shared>>)
        tpu.yield
      }) : () -> ()
    } else {
    }
    %barrier3A = arith.constant 0 : index
    tpu.barrier barrier_id(%barrier3A)
    %add3A_5 = arith.constant 0 : i32
    %add3A_6 = arith.addi %mul3A_2, %add3A_5 : i32
    %dma_start3A = arith.constant 0 : i32
    %dma_start3A_7 = tpu.memref_slice %arg3[%add3A_6, %dma_start3A] : memref<4000x80xi32, #tpu.memory_space<hbm>> -> memref<1x80xi32, #tpu.memory_space<hbm>>
    %dma_start3A_8 = tpu.memref_squeeze %dma_start3A_7 : memref<1x80xi32, #tpu.memory_space<hbm>> -> memref<80xi32, #tpu.memory_space<hbm>>
    %dma_start3A_9 = arith.constant 0 : i32
    %dma_start3A_10 = tpu.memref_slice %arg3[%add3A_6, %dma_start3A_9] : memref<4000x80xi32, #tpu.memory_space<hbm>> -> memref<1x80xi32, #tpu.memory_space<hbm>>
    %dma_start3A_11 = tpu.memref_squeeze %dma_start3A_10 : memref<1x80xi32, #tpu.memory_space<hbm>> -> memref<80xi32, #tpu.memory_space<hbm>>
    tpu.enqueue_dma source(%dma_start3A_11 : memref<80xi32, #tpu.memory_space<hbm>>) target(%arg7 : memref<80xi32, #tpu.memory_space<vmem>>) target_semaphore(%arg14 : memref<!tpu.dma_semaphore, #tpu.memory_space<semaphore_mem>>)
    %add3A_12 = arith.constant 0 : i32
    %add3A_13 = arith.addi %mul3A_2, %add3A_12 : i32
    %dma_start3A_14 = arith.constant 0 : i32
    %dma_start3A_15 = tpu.memref_slice %arg4[%add3A_13, %dma_start3A_14] : memref<4000x80xi32, #tpu.memory_space<hbm>> -> memref<1x80xi32, #tpu.memory_space<hbm>>
    %dma_start3A_16 = tpu.memref_squeeze %dma_start3A_15 : memref<1x80xi32, #tpu.memory_space<hbm>> -> memref<80xi32, #tpu.memory_space<hbm>>
    %dma_start3A_17 = arith.constant 0 : i32
    %dma_start3A_18 = tpu.memref_slice %arg4[%add3A_13, %dma_start3A_17] : memref<4000x80xi32, #tpu.memory_space<hbm>> -> memref<1x80xi32, #tpu.memory_space<hbm>>
    %dma_start3A_19 = tpu.memref_squeeze %dma_start3A_18 : memref<1x80xi32, #tpu.memory_space<hbm>> -> memref<80xi32, #tpu.memory_space<hbm>>
    tpu.enqueue_dma source(%dma_start3A_19 : memref<80xi32, #tpu.memory_space<hbm>>) target(%arg9 : memref<80xi32, #tpu.memory_space<vmem>>) target_semaphore(%arg16 : memref<!tpu.dma_semaphore, #tpu.memory_space<semaphore_mem>>)
    %add3A_20 = arith.constant 1 : i32
    %add3A_21 = arith.addi %mul3A_2, %add3A_20 : i32
    %dma_start3A_22 = arith.constant 0 : i32
    %dma_start3A_23 = tpu.memref_slice %arg3[%add3A_21, %dma_start3A_22] : memref<4000x80xi32, #tpu.memory_space<hbm>> -> memref<1x80xi32, #tpu.memory_space<hbm>>
    %dma_start3A_24 = tpu.memref_squeeze %dma_start3A_23 : memref<1x80xi32, #tpu.memory_space<hbm>> -> memref<80xi32, #tpu.memory_space<hbm>>
    %dma_start3A_25 = arith.constant 0 : i32
    %dma_start3A_26 = tpu.memref_slice %arg3[%add3A_21, %dma_start3A_25] : memref<4000x80xi32, #tpu.memory_space<hbm>> -> memref<1x80xi32, #tpu.memory_space<hbm>>
    %dma_start3A_27 = tpu.memref_squeeze %dma_start3A_26 : memref<1x80xi32, #tpu.memory_space<hbm>> -> memref<80xi32, #tpu.memory_space<hbm>>
    tpu.enqueue_dma source(%dma_start3A_27 : memref<80xi32, #tpu.memory_space<hbm>>) target(%arg8 : memref<80xi32, #tpu.memory_space<vmem>>) target_semaphore(%arg15 : memref<!tpu.dma_semaphore, #tpu.memory_space<semaphore_mem>>)
    %add3A_28 = arith.constant 1 : i32
    %add3A_29 = arith.addi %mul3A_2, %add3A_28 : i32
    %dma_start3A_30 = arith.constant 0 : i32
    %dma_start3A_31 = tpu.memref_slice %arg4[%add3A_29, %dma_start3A_30] : memref<4000x80xi32, #tpu.memory_space<hbm>> -> memref<1x80xi32, #tpu.memory_space<hbm>>
    %dma_start3A_32 = tpu.memref_squeeze %dma_start3A_31 : memref<1x80xi32, #tpu.memory_space<hbm>> -> memref<80xi32, #tpu.memory_space<hbm>>
    %dma_start3A_33 = arith.constant 0 : i32
    %dma_start3A_34 = tpu.memref_slice %arg4[%add3A_29, %dma_start3A_33] : memref<4000x80xi32, #tpu.memory_space<hbm>> -> memref<1x80xi32, #tpu.memory_space<hbm>>
    %dma_start3A_35 = tpu.memref_squeeze %dma_start3A_34 : memref<1x80xi32, #tpu.memory_space<hbm>> -> memref<80xi32, #tpu.memory_space<hbm>>
    tpu.enqueue_dma source(%dma_start3A_35 : memref<80xi32, #tpu.memory_space<hbm>>) target(%arg10 : memref<80xi32, #tpu.memory_space<vmem>>) target_semaphore(%arg17 : memref<!tpu.dma_semaphore, #tpu.memory_space<semaphore_mem>>)
    %add3A_36 = arith.constant 0 : i32
    %add3A_37 = arith.addi %mul3A_2, %add3A_36 : i32
    %dma_wait3A = arith.constant 0 : i32
    %dma_wait3A_38 = tpu.memref_slice %arg3[%add3A_37, %dma_wait3A] : memref<4000x80xi32, #tpu.memory_space<hbm>> -> memref<1x80xi32, #tpu.memory_space<hbm>>
    %dma_wait3A_39 = tpu.memref_squeeze %dma_wait3A_38 : memref<1x80xi32, #tpu.memory_space<hbm>> -> memref<80xi32, #tpu.memory_space<hbm>>
    %dma_wait3A_40 = arith.constant 0 : i32
    %dma_wait3A_41 = tpu.memref_slice %arg3[%add3A_37, %dma_wait3A_40] : memref<4000x80xi32, #tpu.memory_space<hbm>> -> memref<1x80xi32, #tpu.memory_space<hbm>>
    %dma_wait3A_42 = tpu.memref_squeeze %dma_wait3A_41 : memref<1x80xi32, #tpu.memory_space<hbm>> -> memref<80xi32, #tpu.memory_space<hbm>>
    tpu.wait_dma2 semaphore(%arg14 : memref<!tpu.dma_semaphore, #tpu.memory_space<semaphore_mem>>) src(%dma_wait3A_42 : memref<80xi32, #tpu.memory_space<hbm>>) dst(%arg7 : memref<80xi32, #tpu.memory_space<vmem>>)
    %dma_start3A_43 = arith.constant 0 : i32
    %dma_start3A_44 = arith.constant 0 : i32
    %dma_start3A_45 = tpu.memref_slice %arg2[%dma_start3A_43, %dma_start3A_44] : memref<10000x128xf32, #tpu.memory_space<hbm>> -> memref<10000x128xf32, #tpu.memory_space<hbm>>
    tpu.enqueue_indirect_dma source(%dma_start3A_45 : memref<10000x128xf32, #tpu.memory_space<hbm>>) target(%arg11 : memref<80x128xf32, #tpu.memory_space<vmem>>) offsets(%arg7 : memref<80xi32, #tpu.memory_space<vmem>>) semaphore(%arg18 : memref<!tpu.dma_semaphore, #tpu.memory_space<semaphore_mem>>)
    %scan3A = arith.constant 0 : i32
    %scan3A_46 = arith.constant 62 : i32
    %scan3A_47 = arith.addi %scan3A, %scan3A_46 : i32
    %scan3A_48 = arith.constant 1 : i32
    scf.for %scan3A_67 = %scan3A to %scan3A_47 step %scan3A_48  : i32 {
      %mul3A_68 = arith.constant 1 : i32
      %mul3A_69 = arith.muli %scan3A_67, %mul3A_68 : i32
      %add3A_70 = arith.constant 0 : i32
      %add3A_71 = arith.addi %add3A_70, %mul3A_69 : i32
      %mul3A_72 = arith.constant 2 : i32
      %mul3A_73 = arith.muli %mul3A_72, %add3A_71 : i32
      %dma_wait3A_74 = arith.constant 0 : i32
      %dma_wait3A_75 = arith.constant 0 : i32
      %dma_wait3A_76 = tpu.memref_slice %arg2[%dma_wait3A_74, %dma_wait3A_75] : memref<10000x128xf32, #tpu.memory_space<hbm>> -> memref<10000x128xf32, #tpu.memory_space<hbm>>
      tpu.wait_indirect_dma semaphore(%arg18 : memref<!tpu.dma_semaphore, #tpu.memory_space<semaphore_mem>>) src(%dma_wait3A_76 : memref<10000x128xf32, #tpu.memory_space<hbm>>) dst(%arg11 : memref<80x128xf32, #tpu.memory_space<vmem>>)
      %add3A_77 = arith.constant 1 : i32
      %add3A_78 = arith.addi %mul3A_73, %add3A_77 : i32
      %add3A_79 = arith.addi %mul3A_2, %add3A_78 : i32
      %dma_wait3A_80 = arith.constant 0 : i32
      %dma_wait3A_81 = tpu.memref_slice %arg3[%add3A_79, %dma_wait3A_80] : memref<4000x80xi32, #tpu.memory_space<hbm>> -> memref<1x80xi32, #tpu.memory_space<hbm>>
      %dma_wait3A_82 = tpu.memref_squeeze %dma_wait3A_81 : memref<1x80xi32, #tpu.memory_space<hbm>> -> memref<80xi32, #tpu.memory_space<hbm>>
      %dma_wait3A_83 = arith.constant 0 : i32
      %dma_wait3A_84 = tpu.memref_slice %arg3[%add3A_79, %dma_wait3A_83] : memref<4000x80xi32, #tpu.memory_space<hbm>> -> memref<1x80xi32, #tpu.memory_space<hbm>>
      %dma_wait3A_85 = tpu.memref_squeeze %dma_wait3A_84 : memref<1x80xi32, #tpu.memory_space<hbm>> -> memref<80xi32, #tpu.memory_space<hbm>>
      tpu.wait_dma2 semaphore(%arg15 : memref<!tpu.dma_semaphore, #tpu.memory_space<semaphore_mem>>) src(%dma_wait3A_85 : memref<80xi32, #tpu.memory_space<hbm>>) dst(%arg8 : memref<80xi32, #tpu.memory_space<vmem>>)
      %dma_start3A_86 = arith.constant 0 : i32
      %dma_start3A_87 = arith.constant 0 : i32
      %dma_start3A_88 = tpu.memref_slice %arg2[%dma_start3A_86, %dma_start3A_87] : memref<10000x128xf32, #tpu.memory_space<hbm>> -> memref<10000x128xf32, #tpu.memory_space<hbm>>
      tpu.enqueue_indirect_dma source(%dma_start3A_88 : memref<10000x128xf32, #tpu.memory_space<hbm>>) target(%arg12 : memref<80x128xf32, #tpu.memory_space<vmem>>) offsets(%arg8 : memref<80xi32, #tpu.memory_space<vmem>>) semaphore(%arg19 : memref<!tpu.dma_semaphore, #tpu.memory_space<semaphore_mem>>)
      %add3A_89 = arith.addi %mul3A_2, %mul3A_73 : i32
      %dma_wait3A_90 = arith.constant 0 : i32
      %dma_wait3A_91 = tpu.memref_slice %arg4[%add3A_89, %dma_wait3A_90] : memref<4000x80xi32, #tpu.memory_space<hbm>> -> memref<1x80xi32, #tpu.memory_space<hbm>>
      %dma_wait3A_92 = tpu.memref_squeeze %dma_wait3A_91 : memref<1x80xi32, #tpu.memory_space<hbm>> -> memref<80xi32, #tpu.memory_space<hbm>>
      %dma_wait3A_93 = arith.constant 0 : i32
      %dma_wait3A_94 = tpu.memref_slice %arg4[%add3A_89, %dma_wait3A_93] : memref<4000x80xi32, #tpu.memory_space<hbm>> -> memref<1x80xi32, #tpu.memory_space<hbm>>
      %dma_wait3A_95 = tpu.memref_squeeze %dma_wait3A_94 : memref<1x80xi32, #tpu.memory_space<hbm>> -> memref<80xi32, #tpu.memory_space<hbm>>
      tpu.wait_dma2 semaphore(%arg16 : memref<!tpu.dma_semaphore, #tpu.memory_space<semaphore_mem>>) src(%dma_wait3A_95 : memref<80xi32, #tpu.memory_space<hbm>>) dst(%arg9 : memref<80xi32, #tpu.memory_space<vmem>>)
      "tpu.region"() ({
        %run_scoped3A = tpu.sem_alloc : memref<!tpu.dma_semaphore, #tpu.memory_space<semaphore_mem>>
        %dma_start3A_137 = arith.constant 0 : i32
        %dma_start3A_138 = arith.constant 0 : i32
        %dma_start3A_139 = tpu.memref_slice %arg13[%dma_start3A_137, %dma_start3A_138] : memref<10240x128xf32, #tpu.memory_space<vmem_shared>> -> memref<10240x128xf32, #tpu.memory_space<vmem_shared>>
        tpu.enqueue_indirect_dma source(%arg11 : memref<80x128xf32, #tpu.memory_space<vmem>>) target(%dma_start3A_139 : memref<10240x128xf32, #tpu.memory_space<vmem_shared>>) offsets(%arg9 : memref<80xi32, #tpu.memory_space<vmem>>) semaphore(%run_scoped3A : memref<!tpu.dma_semaphore, #tpu.memory_space<semaphore_mem>>) {add = true}
        %dma_wait3A_140 = arith.constant 0 : i32
        %dma_wait3A_141 = arith.constant 0 : i32
        %dma_wait3A_142 = tpu.memref_slice %arg13[%dma_wait3A_140, %dma_wait3A_141] : memref<10240x128xf32, #tpu.memory_space<vmem_shared>> -> memref<10240x128xf32, #tpu.memory_space<vmem_shared>>
        tpu.wait_indirect_dma semaphore(%run_scoped3A : memref<!tpu.dma_semaphore, #tpu.memory_space<semaphore_mem>>) src(%arg11 : memref<80x128xf32, #tpu.memory_space<vmem>>) dst(%dma_wait3A_142 : memref<10240x128xf32, #tpu.memory_space<vmem_shared>>)
        tpu.yield
      }) : () -> ()
      %add3A_96 = arith.constant 2 : i32
      %add3A_97 = arith.addi %mul3A_73, %add3A_96 : i32
      %add3A_98 = arith.addi %mul3A_2, %add3A_97 : i32
      %dma_start3A_99 = arith.constant 0 : i32
      %dma_start3A_100 = tpu.memref_slice %arg3[%add3A_98, %dma_start3A_99] : memref<4000x80xi32, #tpu.memory_space<hbm>> -> memref<1x80xi32, #tpu.memory_space<hbm>>
      %dma_start3A_101 = tpu.memref_squeeze %dma_start3A_100 : memref<1x80xi32, #tpu.memory_space<hbm>> -> memref<80xi32, #tpu.memory_space<hbm>>
      %dma_start3A_102 = arith.constant 0 : i32
      %dma_start3A_103 = tpu.memref_slice %arg3[%add3A_98, %dma_start3A_102] : memref<4000x80xi32, #tpu.memory_space<hbm>> -> memref<1x80xi32, #tpu.memory_space<hbm>>
      %dma_start3A_104 = tpu.memref_squeeze %dma_start3A_103 : memref<1x80xi32, #tpu.memory_space<hbm>> -> memref<80xi32, #tpu.memory_space<hbm>>
      tpu.enqueue_dma source(%dma_start3A_104 : memref<80xi32, #tpu.memory_space<hbm>>) target(%arg7 : memref<80xi32, #tpu.memory_space<vmem>>) target_semaphore(%arg14 : memref<!tpu.dma_semaphore, #tpu.memory_space<semaphore_mem>>)
      %add3A_105 = arith.addi %mul3A_2, %add3A_97 : i32
      %dma_start3A_106 = arith.constant 0 : i32
      %dma_start3A_107 = tpu.memref_slice %arg4[%add3A_105, %dma_start3A_106] : memref<4000x80xi32, #tpu.memory_space<hbm>> -> memref<1x80xi32, #tpu.memory_space<hbm>>
      %dma_start3A_108 = tpu.memref_squeeze %dma_start3A_107 : memref<1x80xi32, #tpu.memory_space<hbm>> -> memref<80xi32, #tpu.memory_space<hbm>>
      %dma_start3A_109 = arith.constant 0 : i32
      %dma_start3A_110 = tpu.memref_slice %arg4[%add3A_105, %dma_start3A_109] : memref<4000x80xi32, #tpu.memory_space<hbm>> -> memref<1x80xi32, #tpu.memory_space<hbm>>
      %dma_start3A_111 = tpu.memref_squeeze %dma_start3A_110 : memref<1x80xi32, #tpu.memory_space<hbm>> -> memref<80xi32, #tpu.memory_space<hbm>>
      tpu.enqueue_dma source(%dma_start3A_111 : memref<80xi32, #tpu.memory_space<hbm>>) target(%arg9 : memref<80xi32, #tpu.memory_space<vmem>>) target_semaphore(%arg16 : memref<!tpu.dma_semaphore, #tpu.memory_space<semaphore_mem>>)
      %dma_wait3A_112 = arith.constant 0 : i32
      %dma_wait3A_113 = arith.constant 0 : i32
      %dma_wait3A_114 = tpu.memref_slice %arg2[%dma_wait3A_112, %dma_wait3A_113] : memref<10000x128xf32, #tpu.memory_space<hbm>> -> memref<10000x128xf32, #tpu.memory_space<hbm>>
      tpu.wait_indirect_dma semaphore(%arg19 : memref<!tpu.dma_semaphore, #tpu.memory_space<semaphore_mem>>) src(%dma_wait3A_114 : memref<10000x128xf32, #tpu.memory_space<hbm>>) dst(%arg12 : memref<80x128xf32, #tpu.memory_space<vmem>>)
      %add3A_115 = arith.constant 2 : i32
      %add3A_116 = arith.addi %mul3A_73, %add3A_115 : i32
      %lt3A = arith.constant 125 : i32
      %lt3A_117 = arith.cmpi slt, %add3A_116, %lt3A : i32
      %convert_element_type3A_118 = arith.extui %lt3A_117 : i1 to i32
      %cond3A_119 = arith.constant 0 : i32
      %cond3A_120 = arith.cmpi ne, %convert_element_type3A_118, %cond3A_119 : i32
      scf.if %cond3A_120 {
        %add3A_137 = arith.constant 2 : i32
        %add3A_138 = arith.addi %mul3A_73, %add3A_137 : i32
        %add3A_139 = arith.addi %mul3A_2, %add3A_138 : i32
        %dma_wait3A_140 = arith.constant 0 : i32
        %dma_wait3A_141 = tpu.memref_slice %arg3[%add3A_139, %dma_wait3A_140] : memref<4000x80xi32, #tpu.memory_space<hbm>> -> memref<1x80xi32, #tpu.memory_space<hbm>>
        %dma_wait3A_142 = tpu.memref_squeeze %dma_wait3A_141 : memref<1x80xi32, #tpu.memory_space<hbm>> -> memref<80xi32, #tpu.memory_space<hbm>>
        %dma_wait3A_143 = arith.constant 0 : i32
        %dma_wait3A_144 = tpu.memref_slice %arg3[%add3A_139, %dma_wait3A_143] : memref<4000x80xi32, #tpu.memory_space<hbm>> -> memref<1x80xi32, #tpu.memory_space<hbm>>
        %dma_wait3A_145 = tpu.memref_squeeze %dma_wait3A_144 : memref<1x80xi32, #tpu.memory_space<hbm>> -> memref<80xi32, #tpu.memory_space<hbm>>
        tpu.wait_dma2 semaphore(%arg14 : memref<!tpu.dma_semaphore, #tpu.memory_space<semaphore_mem>>) src(%dma_wait3A_145 : memref<80xi32, #tpu.memory_space<hbm>>) dst(%arg7 : memref<80xi32, #tpu.memory_space<vmem>>)
        %dma_start3A_146 = arith.constant 0 : i32
        %dma_start3A_147 = arith.constant 0 : i32
        %dma_start3A_148 = tpu.memref_slice %arg2[%dma_start3A_146, %dma_start3A_147] : memref<10000x128xf32, #tpu.memory_space<hbm>> -> memref<10000x128xf32, #tpu.memory_space<hbm>>
        tpu.enqueue_indirect_dma source(%dma_start3A_148 : memref<10000x128xf32, #tpu.memory_space<hbm>>) target(%arg11 : memref<80x128xf32, #tpu.memory_space<vmem>>) offsets(%arg7 : memref<80xi32, #tpu.memory_space<vmem>>) semaphore(%arg18 : memref<!tpu.dma_semaphore, #tpu.memory_space<semaphore_mem>>)
      } else {
      }
      %add3A_121 = arith.constant 1 : i32
      %add3A_122 = arith.addi %mul3A_73, %add3A_121 : i32
      %add3A_123 = arith.addi %mul3A_2, %add3A_122 : i32
      %dma_wait3A_124 = arith.constant 0 : i32
      %dma_wait3A_125 = tpu.memref_slice %arg4[%add3A_123, %dma_wait3A_124] : memref<4000x80xi32, #tpu.memory_space<hbm>> -> memref<1x80xi32, #tpu.memory_space<hbm>>
      %dma_wait3A_126 = tpu.memref_squeeze %dma_wait3A_125 : memref<1x80xi32, #tpu.memory_space<hbm>> -> memref<80xi32, #tpu.memory_space<hbm>>
      %dma_wait3A_127 = arith.constant 0 : i32
      %dma_wait3A_128 = tpu.memref_slice %arg4[%add3A_123, %dma_wait3A_127] : memref<4000x80xi32, #tpu.memory_space<hbm>> -> memref<1x80xi32, #tpu.memory_space<hbm>>
      %dma_wait3A_129 = tpu.memref_squeeze %dma_wait3A_128 : memref<1x80xi32, #tpu.memory_space<hbm>> -> memref<80xi32, #tpu.memory_space<hbm>>
      tpu.wait_dma2 semaphore(%arg17 : memref<!tpu.dma_semaphore, #tpu.memory_space<semaphore_mem>>) src(%dma_wait3A_129 : memref<80xi32, #tpu.memory_space<hbm>>) dst(%arg10 : memref<80xi32, #tpu.memory_space<vmem>>)
      "tpu.region"() ({
        %run_scoped3A = tpu.sem_alloc : memref<!tpu.dma_semaphore, #tpu.memory_space<semaphore_mem>>
        %dma_start3A_137 = arith.constant 0 : i32
        %dma_start3A_138 = arith.constant 0 : i32
        %dma_start3A_139 = tpu.memref_slice %arg13[%dma_start3A_137, %dma_start3A_138] : memref<10240x128xf32, #tpu.memory_space<vmem_shared>> -> memref<10240x128xf32, #tpu.memory_space<vmem_shared>>
        tpu.enqueue_indirect_dma source(%arg12 : memref<80x128xf32, #tpu.memory_space<vmem>>) target(%dma_start3A_139 : memref<10240x128xf32, #tpu.memory_space<vmem_shared>>) offsets(%arg10 : memref<80xi32, #tpu.memory_space<vmem>>) semaphore(%run_scoped3A : memref<!tpu.dma_semaphore, #tpu.memory_space<semaphore_mem>>) {add = true}
        %dma_wait3A_140 = arith.constant 0 : i32
        %dma_wait3A_141 = arith.constant 0 : i32
        %dma_wait3A_142 = tpu.memref_slice %arg13[%dma_wait3A_140, %dma_wait3A_141] : memref<10240x128xf32, #tpu.memory_space<vmem_shared>> -> memref<10240x128xf32, #tpu.memory_space<vmem_shared>>
        tpu.wait_indirect_dma semaphore(%run_scoped3A : memref<!tpu.dma_semaphore, #tpu.memory_space<semaphore_mem>>) src(%arg12 : memref<80x128xf32, #tpu.memory_space<vmem>>) dst(%dma_wait3A_142 : memref<10240x128xf32, #tpu.memory_space<vmem_shared>>)
        tpu.yield
      }) : () -> ()
      %add3A_130 = arith.constant 3 : i32
      %add3A_131 = arith.addi %mul3A_73, %add3A_130 : i32
      %lt3A_132 = arith.constant 125 : i32
      %lt3A_133 = arith.cmpi slt, %add3A_131, %lt3A_132 : i32
      %convert_element_type3A_134 = arith.extui %lt3A_133 : i1 to i32
      %cond3A_135 = arith.constant 0 : i32
      %cond3A_136 = arith.cmpi ne, %convert_element_type3A_134, %cond3A_135 : i32
      scf.if %cond3A_136 {
        %add3A_137 = arith.constant 3 : i32
        %add3A_138 = arith.addi %mul3A_73, %add3A_137 : i32
        %add3A_139 = arith.addi %mul3A_2, %add3A_138 : i32
        %dma_start3A_140 = arith.constant 0 : i32
        %dma_start3A_141 = tpu.memref_slice %arg3[%add3A_139, %dma_start3A_140] : memref<4000x80xi32, #tpu.memory_space<hbm>> -> memref<1x80xi32, #tpu.memory_space<hbm>>
        %dma_start3A_142 = tpu.memref_squeeze %dma_start3A_141 : memref<1x80xi32, #tpu.memory_space<hbm>> -> memref<80xi32, #tpu.memory_space<hbm>>
        %dma_start3A_143 = arith.constant 0 : i32
        %dma_start3A_144 = tpu.memref_slice %arg3[%add3A_139, %dma_start3A_143] : memref<4000x80xi32, #tpu.memory_space<hbm>> -> memref<1x80xi32, #tpu.memory_space<hbm>>
        %dma_start3A_145 = tpu.memref_squeeze %dma_start3A_144 : memref<1x80xi32, #tpu.memory_space<hbm>> -> memref<80xi32, #tpu.memory_space<hbm>>
        tpu.enqueue_dma source(%dma_start3A_145 : memref<80xi32, #tpu.memory_space<hbm>>) target(%arg8 : memref<80xi32, #tpu.memory_space<vmem>>) target_semaphore(%arg15 : memref<!tpu.dma_semaphore, #tpu.memory_space<semaphore_mem>>)
        %add3A_146 = arith.addi %mul3A_2, %add3A_138 : i32
        %dma_start3A_147 = arith.constant 0 : i32
        %dma_start3A_148 = tpu.memref_slice %arg4[%add3A_146, %dma_start3A_147] : memref<4000x80xi32, #tpu.memory_space<hbm>> -> memref<1x80xi32, #tpu.memory_space<hbm>>
        %dma_start3A_149 = tpu.memref_squeeze %dma_start3A_148 : memref<1x80xi32, #tpu.memory_space<hbm>> -> memref<80xi32, #tpu.memory_space<hbm>>
        %dma_start3A_150 = arith.constant 0 : i32
        %dma_start3A_151 = tpu.memref_slice %arg4[%add3A_146, %dma_start3A_150] : memref<4000x80xi32, #tpu.memory_space<hbm>> -> memref<1x80xi32, #tpu.memory_space<hbm>>
        %dma_start3A_152 = tpu.memref_squeeze %dma_start3A_151 : memref<1x80xi32, #tpu.memory_space<hbm>> -> memref<80xi32, #tpu.memory_space<hbm>>
        tpu.enqueue_dma source(%dma_start3A_152 : memref<80xi32, #tpu.memory_space<hbm>>) target(%arg10 : memref<80xi32, #tpu.memory_space<vmem>>) target_semaphore(%arg17 : memref<!tpu.dma_semaphore, #tpu.memory_space<semaphore_mem>>)
      } else {
      }
    }
    %scan3A_49 = arith.constant 62 : i32
    %dma_wait3A_50 = arith.constant 0 : i32
    %dma_wait3A_51 = arith.constant 0 : i32
    %dma_wait3A_52 = tpu.memref_slice %arg2[%dma_wait3A_50, %dma_wait3A_51] : memref<10000x128xf32, #tpu.memory_space<hbm>> -> memref<10000x128xf32, #tpu.memory_space<hbm>>
    tpu.wait_indirect_dma semaphore(%arg18 : memref<!tpu.dma_semaphore, #tpu.memory_space<semaphore_mem>>) src(%dma_wait3A_52 : memref<10000x128xf32, #tpu.memory_space<hbm>>) dst(%arg11 : memref<80x128xf32, #tpu.memory_space<vmem>>)
    %add3A_53 = arith.constant 124 : i32
    %add3A_54 = arith.addi %mul3A_2, %add3A_53 : i32
    %dma_wait3A_55 = arith.constant 0 : i32
    %dma_wait3A_56 = tpu.memref_slice %arg4[%add3A_54, %dma_wait3A_55] : memref<4000x80xi32, #tpu.memory_space<hbm>> -> memref<1x80xi32, #tpu.memory_space<hbm>>
    %dma_wait3A_57 = tpu.memref_squeeze %dma_wait3A_56 : memref<1x80xi32, #tpu.memory_space<hbm>> -> memref<80xi32, #tpu.memory_space<hbm>>
    %dma_wait3A_58 = arith.constant 0 : i32
    %dma_wait3A_59 = tpu.memref_slice %arg4[%add3A_54, %dma_wait3A_58] : memref<4000x80xi32, #tpu.memory_space<hbm>> -> memref<1x80xi32, #tpu.memory_space<hbm>>
    %dma_wait3A_60 = tpu.memref_squeeze %dma_wait3A_59 : memref<1x80xi32, #tpu.memory_space<hbm>> -> memref<80xi32, #tpu.memory_space<hbm>>
    tpu.wait_dma2 semaphore(%arg16 : memref<!tpu.dma_semaphore, #tpu.memory_space<semaphore_mem>>) src(%dma_wait3A_60 : memref<80xi32, #tpu.memory_space<hbm>>) dst(%arg9 : memref<80xi32, #tpu.memory_space<vmem>>)
    "tpu.region"() ({
      %run_scoped3A = tpu.sem_alloc : memref<!tpu.dma_semaphore, #tpu.memory_space<semaphore_mem>>
      %dma_start3A_67 = arith.constant 0 : i32
      %dma_start3A_68 = arith.constant 0 : i32
      %dma_start3A_69 = tpu.memref_slice %arg13[%dma_start3A_67, %dma_start3A_68] : memref<10240x128xf32, #tpu.memory_space<vmem_shared>> -> memref<10240x128xf32, #tpu.memory_space<vmem_shared>>
      tpu.enqueue_indirect_dma source(%arg11 : memref<80x128xf32, #tpu.memory_space<vmem>>) target(%dma_start3A_69 : memref<10240x128xf32, #tpu.memory_space<vmem_shared>>) offsets(%arg9 : memref<80xi32, #tpu.memory_space<vmem>>) semaphore(%run_scoped3A : memref<!tpu.dma_semaphore, #tpu.memory_space<semaphore_mem>>) {add = true}
      %dma_wait3A_70 = arith.constant 0 : i32
      %dma_wait3A_71 = arith.constant 0 : i32
      %dma_wait3A_72 = tpu.memref_slice %arg13[%dma_wait3A_70, %dma_wait3A_71] : memref<10240x128xf32, #tpu.memory_space<vmem_shared>> -> memref<10240x128xf32, #tpu.memory_space<vmem_shared>>
      tpu.wait_indirect_dma semaphore(%run_scoped3A : memref<!tpu.dma_semaphore, #tpu.memory_space<semaphore_mem>>) src(%arg11 : memref<80x128xf32, #tpu.memory_space<vmem>>) dst(%dma_wait3A_72 : memref<10240x128xf32, #tpu.memory_space<vmem_shared>>)
      tpu.yield
    }) : () -> ()
    %barrier3A_61 = arith.constant 0 : index
    tpu.barrier barrier_id(%barrier3A_61)
    %eq3A_62 = arith.constant 0 : i32
    %eq3A_63 = arith.cmpi eq, %arg1, %eq3A_62 : i32
    %convert_element_type3A_64 = arith.extui %eq3A_63 : i1 to i32
    %cond3A_65 = arith.constant 0 : i32
    %cond3A_66 = arith.cmpi ne, %convert_element_type3A_64, %cond3A_65 : i32
    scf.if %cond3A_66 {
      "tpu.region"() ({
        %run_scoped3A = tpu.sem_alloc : memref<!tpu.dma_semaphore, #tpu.memory_space<semaphore_mem>>
        %dma_start3A_67 = arith.constant 0 : i32
        %dma_start3A_68 = arith.constant 0 : i32
        %dma_start3A_69 = tpu.memref_slice %arg6[%arg0, %dma_start3A_67, %dma_start3A_68] : memref<2x10240x128xf32, #tpu.memory_space<hbm>> -> memref<1x10240x128xf32, #tpu.memory_space<hbm>>
        %dma_start3A_70 = tpu.memref_squeeze %dma_start3A_69 : memref<1x10240x128xf32, #tpu.memory_space<hbm>> -> memref<10240x128xf32, #tpu.memory_space<hbm>>
        tpu.enqueue_dma source(%arg13 : memref<10240x128xf32, #tpu.memory_space<vmem_shared>>) target(%dma_start3A_70 : memref<10240x128xf32, #tpu.memory_space<hbm>>) target_semaphore(%run_scoped3A : memref<!tpu.dma_semaphore, #tpu.memory_space<semaphore_mem>>)
        %dma_wait3A_71 = arith.constant 0 : i32
        %dma_wait3A_72 = arith.constant 0 : i32
        %dma_wait3A_73 = tpu.memref_slice %arg6[%arg0, %dma_wait3A_71, %dma_wait3A_72] : memref<2x10240x128xf32, #tpu.memory_space<hbm>> -> memref<1x10240x128xf32, #tpu.memory_space<hbm>>
        %dma_wait3A_74 = tpu.memref_squeeze %dma_wait3A_73 : memref<1x10240x128xf32, #tpu.memory_space<hbm>> -> memref<10240x128xf32, #tpu.memory_space<hbm>>
        tpu.wait_dma2 semaphore(%run_scoped3A : memref<!tpu.dma_semaphore, #tpu.memory_space<semaphore_mem>>) src(%arg13 : memref<10240x128xf32, #tpu.memory_space<vmem_shared>>) dst(%dma_wait3A_74 : memref<10240x128xf32, #tpu.memory_space<hbm>>)
        tpu.yield
      }) : () -> ()
    } else {
    }
    return
  }
}

module attributes {stable_mosaic.version = 14 : i64} {
  func.func @body(%arg0: i32, %arg1: memref<400x128xf32, #tpu.memory_space<vmem>>, %arg2: memref<128x128xf32, #tpu.memory_space<vmem>>, %arg3: memref<2x400x1xf32, #tpu.memory_space<vmem>>, %arg4: memref<400x128xf32, #tpu.memory_space<vmem>>) attributes {dimension_semantics = [#tpu.dimension_semantics<arbitrary>], iteration_bounds = array<i64: 25>, scalar_prefetch = 0 : i64, scratch_operands = 0 : i64, tpu.core_type = #tpu.core_type<tc>, window_params = [{transform_indices = @transform_0, window_bounds = array<i64: 400, 128>}, {pipeline_mode = #tpu.pipeline_mode<synchronous>, transform_indices = @transform_1, window_bounds = array<i64: 128, 128>}, {transform_indices = @transform_2, window_bounds = array<i64: 2, 400, 1>}, {transform_indices = @transform_3, window_bounds = array<i64: 400, 128>}]} {
    %get3A = arith.constant 0 : index
    %get3A_0 = arith.constant 0 : index
    %get3A_1 = arith.constant 0 : index
    %get3A_2 = vector.load %arg3[%get3A, %get3A_0, %get3A_1] : memref<2x400x1xf32, #tpu.memory_space<vmem>>, vector<1x400x1xf32>
    %get3A_3 = vector.shape_cast %get3A_2 : vector<1x400x1xf32> to vector<400xf32>
    %get3A_4 = arith.constant 1 : index
    %get3A_5 = arith.constant 0 : index
    %get3A_6 = arith.constant 0 : index
    %get3A_7 = vector.load %arg3[%get3A_4, %get3A_5, %get3A_6] : memref<2x400x1xf32, #tpu.memory_space<vmem>>, vector<1x400x1xf32>
    %get3A_8 = vector.shape_cast %get3A_7 : vector<1x400x1xf32> to vector<400xf32>
    %add3A = arith.addf %get3A_3, %get3A_8 : vector<400xf32>
    %add3A_9 = arith.constant 1.000000e+00 : f32
    %add3A_10 = vector.broadcast %add3A_9 : f32 to vector<400xf32>
    %add3A_11 = arith.addf %add3A, %add3A_10 : vector<400xf32>
    %rsqrt3A = math.rsqrt %add3A_11 : vector<400xf32>
    %get3A_12 = arith.constant 0 : index
    %get3A_13 = arith.constant 0 : index
    %get3A_14 = vector.load %arg1[%get3A_12, %get3A_13] : memref<400x128xf32, #tpu.memory_space<vmem>>, vector<400x128xf32>
    %get3A_15 = arith.constant 0 : index
    %get3A_16 = arith.constant 0 : index
    %get3A_17 = vector.load %arg2[%get3A_15, %get3A_16] : memref<128x128xf32, #tpu.memory_space<vmem>>, vector<128x128xf32>
    %dot_general3A = arith.constant dense<0.000000e+00> : vector<400x128xf32>
    %dot_general3A_18 = tpu.matmul %get3A_14, %get3A_17, %dot_general3A {dimension_numbers = #tpu.dot_dimension_numbers<[1], [0], [0], [1], [0, 0, 1, 1], [], []>, precision = #tpu.contract_precision<fp32>, transpose_lhs_hint = false} : vector<400x128xf32>, vector<128x128xf32>, vector<400x128xf32> -> vector<400x128xf32>
    %broadcast_in_dim3A = vector.shape_cast %rsqrt3A : vector<400xf32> to vector<400x1xf32>
    %mul3A = vector.broadcast %broadcast_in_dim3A : vector<400x1xf32> to vector<400x128xf32>
    %mul3A_19 = arith.mulf %dot_general3A_18, %mul3A : vector<400x128xf32>
    %swap3A = arith.constant 0 : index
    %swap3A_20 = arith.constant 0 : index
    %swap3A_21 = vector.load %arg4[%swap3A, %swap3A_20] : memref<400x128xf32, #tpu.memory_space<vmem>>, vector<400x128xf32>
    tpu.vector_store %arg4[%swap3A, %swap3A_20], %mul3A_19 {strides = array<i32>} : memref<400x128xf32, #tpu.memory_space<vmem>>, vector<400x128xf32>,
    return
  }
  func.func @transform_0(%arg0: i32) -> (i32, i32) {
    %c0_i32 = arith.constant 0 : i32
    %c0_i32_0 = arith.constant 0 : i32
    return %arg0, %c0_i32 : i32, i32
  }
  func.func @transform_1(%arg0: i32) -> (i32, i32) {
    %c0_i32 = arith.constant 0 : i32
    %c0_i32_0 = arith.constant 0 : i32
    %c0_i32_1 = arith.constant 0 : i32
    return %c0_i32, %c0_i32_0 : i32, i32
  }
  func.func @transform_2(%arg0: i32) -> (i32, i32, i32) {
    %c0_i32 = arith.constant 0 : i32
    %c0_i32_0 = arith.constant 0 : i32
    %c0_i32_1 = arith.constant 0 : i32
    return %c0_i32, %arg0, %c0_i32_0 : i32, i32, i32
  }
  func.func @transform_3(%arg0: i32) -> (i32, i32) {
    %c0_i32 = arith.constant 0 : i32
    %c0_i32_0 = arith.constant 0 : i32
    return %arg0, %c0_i32 : i32, i32
  }
}

module attributes {stable_mosaic.version = 14 : i64} {
  func.func @body(%arg0: i32, %arg1: memref<2x400x128xf32, #tpu.memory_space<vmem>>, %arg2: memref<400x128xf32, #tpu.memory_space<vmem>>, %arg3: memref<2x400x1xf32, #tpu.memory_space<vmem>>, %arg4: memref<1x128xf32, #tpu.memory_space<vmem>>, %arg5: memref<128x128xf32, #tpu.memory_space<vmem>>, %arg6: memref<400x128xf32, #tpu.memory_space<vmem>>) attributes {dimension_semantics = [#tpu.dimension_semantics<arbitrary>], iteration_bounds = array<i64: 25>, scalar_prefetch = 0 : i64, scratch_operands = 0 : i64, tpu.core_type = #tpu.core_type<tc>, window_params = [{transform_indices = @transform_0, window_bounds = array<i64: 2, 400, 128>}, {transform_indices = @transform_1, window_bounds = array<i64: 400, 128>}, {transform_indices = @transform_2, window_bounds = array<i64: 2, 400, 1>}, {pipeline_mode = #tpu.pipeline_mode<synchronous>, transform_indices = @transform_3, window_bounds = array<i64: 1, 128>}, {pipeline_mode = #tpu.pipeline_mode<synchronous>, transform_indices = @transform_4, window_bounds = array<i64: 128, 128>}, {transform_indices = @transform_5, window_bounds = array<i64: 400, 128>}]} {
    %get3A = arith.constant 0 : index
    %get3A_0 = arith.constant 0 : index
    %get3A_1 = arith.constant 0 : index
    %get3A_2 = vector.load %arg3[%get3A, %get3A_0, %get3A_1] : memref<2x400x1xf32, #tpu.memory_space<vmem>>, vector<1x400x1xf32>
    %get3A_3 = vector.shape_cast %get3A_2 : vector<1x400x1xf32> to vector<400xf32>
    %get3A_4 = arith.constant 1 : index
    %get3A_5 = arith.constant 0 : index
    %get3A_6 = arith.constant 0 : index
    %get3A_7 = vector.load %arg3[%get3A_4, %get3A_5, %get3A_6] : memref<2x400x1xf32, #tpu.memory_space<vmem>>, vector<1x400x1xf32>
    %get3A_8 = vector.shape_cast %get3A_7 : vector<1x400x1xf32> to vector<400xf32>
    %add3A = arith.addf %get3A_3, %get3A_8 : vector<400xf32>
    %add3A_9 = arith.constant 1.000000e+00 : f32
    %add3A_10 = vector.broadcast %add3A_9 : f32 to vector<400xf32>
    %add3A_11 = arith.addf %add3A, %add3A_10 : vector<400xf32>
    %rsqrt3A = math.rsqrt %add3A_11 : vector<400xf32>
    %get3A_12 = arith.constant 0 : index
    %get3A_13 = arith.constant 0 : index
    %get3A_14 = arith.constant 0 : index
    %get3A_15 = vector.load %arg1[%get3A_12, %get3A_13, %get3A_14] : memref<2x400x128xf32, #tpu.memory_space<vmem>>, vector<1x400x128xf32>
    %get3A_16 = vector.shape_cast %get3A_15 : vector<1x400x128xf32> to vector<400x128xf32>
    %get3A_17 = arith.constant 1 : index
    %get3A_18 = arith.constant 0 : index
    %get3A_19 = arith.constant 0 : index
    %get3A_20 = vector.load %arg1[%get3A_17, %get3A_18, %get3A_19] : memref<2x400x128xf32, #tpu.memory_space<vmem>>, vector<1x400x128xf32>
    %get3A_21 = vector.shape_cast %get3A_20 : vector<1x400x128xf32> to vector<400x128xf32>
    %add3A_22 = arith.addf %get3A_16, %get3A_21 : vector<400x128xf32>
    %get3A_23 = arith.constant 0 : index
    %get3A_24 = arith.constant 0 : index
    %get3A_25 = vector.load %arg2[%get3A_23, %get3A_24] : memref<400x128xf32, #tpu.memory_space<vmem>>, vector<400x128xf32>
    %add3A_26 = arith.addf %add3A_22, %get3A_25 : vector<400x128xf32>
    %broadcast_in_dim3A = vector.shape_cast %rsqrt3A : vector<400xf32> to vector<400x1xf32>
    %mul3A = vector.broadcast %broadcast_in_dim3A : vector<400x1xf32> to vector<400x128xf32>
    %mul3A_27 = arith.mulf %add3A_26, %mul3A : vector<400x128xf32>
    %get3A_28 = arith.constant 0 : index
    %get3A_29 = arith.constant 0 : index
    %get3A_30 = vector.load %arg4[%get3A_28, %get3A_29] : memref<1x128xf32, #tpu.memory_space<vmem>>, vector<1x128xf32>
    %add3A_31 = vector.broadcast %get3A_30 : vector<1x128xf32> to vector<400x128xf32>
    %add3A_32 = arith.addf %mul3A_27, %add3A_31 : vector<400x128xf32>
    %max3A = arith.constant 0.000000e+00 : f32
    %max3A_33 = vector.broadcast %max3A : f32 to vector<400x128xf32>
    %max3A_34 = arith.maximumf %add3A_32, %max3A_33 : vector<400x128xf32>
    %get3A_35 = arith.constant 0 : index
    %get3A_36 = arith.constant 0 : index
    %get3A_37 = vector.load %arg5[%get3A_35, %get3A_36] : memref<128x128xf32, #tpu.memory_space<vmem>>, vector<128x128xf32>
    %dot_general3A = arith.constant dense<0.000000e+00> : vector<400x128xf32>
    %dot_general3A_38 = tpu.matmul %max3A_34, %get3A_37, %dot_general3A {dimension_numbers = #tpu.dot_dimension_numbers<[1], [0], [0], [1], [0, 0, 1, 1], [], []>, precision = #tpu.contract_precision<fp32>, transpose_lhs_hint = false} : vector<400x128xf32>, vector<128x128xf32>, vector<400x128xf32> -> vector<400x128xf32>
    %broadcast_in_dim3A_39 = vector.shape_cast %rsqrt3A : vector<400xf32> to vector<400x1xf32>
    %mul3A_40 = vector.broadcast %broadcast_in_dim3A_39 : vector<400x1xf32> to vector<400x128xf32>
    %mul3A_41 = arith.mulf %dot_general3A_38, %mul3A_40 : vector<400x128xf32>
    %swap3A = arith.constant 0 : index
    %swap3A_42 = arith.constant 0 : index
    %swap3A_43 = vector.load %arg6[%swap3A, %swap3A_42] : memref<400x128xf32, #tpu.memory_space<vmem>>, vector<400x128xf32>
    tpu.vector_store %arg6[%swap3A, %swap3A_42], %mul3A_41 {strides = array<i32>} : memref<400x128xf32, #tpu.memory_space<vmem>>, vector<400x128xf32>,
    return
  }
  func.func @transform_0(%arg0: i32) -> (i32, i32, i32) {
    %c0_i32 = arith.constant 0 : i32
    %c0_i32_0 = arith.constant 0 : i32
    %c0_i32_1 = arith.constant 0 : i32
    return %c0_i32, %arg0, %c0_i32_0 : i32, i32, i32
  }
  func.func @transform_1(%arg0: i32) -> (i32, i32) {
    %c0_i32 = arith.constant 0 : i32
    %c0_i32_0 = arith.constant 0 : i32
    return %arg0, %c0_i32 : i32, i32
  }
  func.func @transform_2(%arg0: i32) -> (i32, i32, i32) {
    %c0_i32 = arith.constant 0 : i32
    %c0_i32_0 = arith.constant 0 : i32
    %c0_i32_1 = arith.constant 0 : i32
    return %c0_i32, %arg0, %c0_i32_0 : i32, i32, i32
  }
  func.func @transform_3(%arg0: i32) -> (i32, i32) {
    %c0_i32 = arith.constant 0 : i32
    %c0_i32_0 = arith.constant 0 : i32
    %c0_i32_1 = arith.constant 0 : i32
    return %c0_i32, %c0_i32_0 : i32, i32
  }
  func.func @transform_4(%arg0: i32) -> (i32, i32) {
    %c0_i32 = arith.constant 0 : i32
    %c0_i32_0 = arith.constant 0 : i32
    %c0_i32_1 = arith.constant 0 : i32
    return %c0_i32, %c0_i32_0 : i32, i32
  }
  func.func @transform_5(%arg0: i32) -> (i32, i32) {
    %c0_i32 = arith.constant 0 : i32
    %c0_i32_0 = arith.constant 0 : i32
    return %arg0, %c0_i32 : i32, i32
  }
}

module attributes {stable_mosaic.version = 14 : i64} {
  func.func @body(%arg0: i32, %arg1: i32, %arg2: memref<2x400x128xf32, #tpu.memory_space<vmem>>, %arg3: memref<400x128xf32, #tpu.memory_space<vmem>>, %arg4: memref<2x400x1xf32, #tpu.memory_space<vmem>>, %arg5: memref<1x128xf32, #tpu.memory_space<vmem>>, %arg6: memref<128x128xf32, #tpu.memory_space<vmem>>, %arg7: memref<1x128xf32, #tpu.memory_space<vmem>>, %arg8: memref<128x1xf32, #tpu.memory_space<vmem>>, %arg9: memref<1x1xf32, #tpu.memory_space<vmem>>, %arg10: memref<1x1x400xi32, #tpu.memory_space<vmem>>, %arg11: memref<1x1x400xi32, #tpu.memory_space<vmem>>, %arg12: memref<1x1x400xf32, #tpu.memory_space<vmem>>, %arg13: memref<25x1x400xf32, #tpu.memory_space<vmem>>, %arg14: memref<1x64xf32, #tpu.memory_space<vmem>>, %arg15: memref<1x64xf32, #tpu.memory_space<vmem>>, %arg16: memref<25x1x400xf32, #tpu.memory_space<vmem>>) attributes {dimension_semantics = [#tpu.dimension_semantics<arbitrary>, #tpu.dimension_semantics<arbitrary>], iteration_bounds = array<i64: 3, 25>, scalar_prefetch = 0 : i64, scratch_operands = 4 : i64, tpu.core_type = #tpu.core_type<tc>, window_params = [{transform_indices = @transform_0, window_bounds = array<i64: 2, 400, 128>}, {transform_indices = @transform_1, window_bounds = array<i64: 400, 128>}, {transform_indices = @transform_2, window_bounds = array<i64: 2, 400, 1>}, {pipeline_mode = #tpu.pipeline_mode<synchronous>, transform_indices = @transform_3, window_bounds = array<i64: 1, 128>}, {pipeline_mode = #tpu.pipeline_mode<synchronous>, transform_indices = @transform_4, window_bounds = array<i64: 128, 128>}, {pipeline_mode = #tpu.pipeline_mode<synchronous>, transform_indices = @transform_5, window_bounds = array<i64: 1, 128>}, {pipeline_mode = #tpu.pipeline_mode<synchronous>, transform_indices = @transform_6, window_bounds = array<i64: 128, 1>}, {pipeline_mode = #tpu.pipeline_mode<synchronous>, transform_indices = @transform_7, window_bounds = array<i64: 1, 1>}, {transform_indices = @transform_8, window_bounds = array<i64: 1, 1, 400>}, {transform_indices = @transform_9, window_bounds = array<i64: 1, 1, 400>}, {transform_indices = @transform_10, window_bounds = array<i64: 1, 1, 400>}]} {
    %get3A = arith.constant 0 : index
    %get3A_0 = arith.constant 0 : index
    %get3A_1 = arith.constant 0 : index
    %get3A_2 = vector.load %arg11[%get3A, %get3A_0, %get3A_1] : memref<1x1x400xi32, #tpu.memory_space<vmem>>, vector<1x1x400xi32>
    %get3A_3 = vector.shape_cast %get3A_2 : vector<1x1x400xi32> to vector<400xi32>
    %broadcast_in_dim3A = vector.shape_cast %get3A_3 : vector<400xi32> to vector<400x1xi32>
    %iota3A = tpu.iota {dimensions = array<i32: 1>} : vector<400x64xi32>
    %eq3A = vector.broadcast %broadcast_in_dim3A : vector<400x1xi32> to vector<400x64xi32>
    %eq3A_4 = arith.cmpi eq, %eq3A, %iota3A : vector<400x64xi32>
    %eq3A_5 = arith.constant 0 : i32
    %eq3A_6 = arith.cmpi eq, %arg0, %eq3A_5 : i32
    %convert_element_type3A = arith.extui %eq3A_6 : i1 to i32
    %cond3A = arith.constant 0 : i32
    %cond3A_7 = arith.cmpi ne, %convert_element_type3A, %cond3A : i32
    scf.if %cond3A_7 {
      %get3A_25 = arith.constant 0 : index
      %get3A_26 = arith.constant 0 : index
      %get3A_27 = arith.constant 0 : index
      %get3A_28 = vector.load %arg4[%get3A_25, %get3A_26, %get3A_27] : memref<2x400x1xf32, #tpu.memory_space<vmem>>, vector<1x400x1xf32>
      %get3A_29 = vector.shape_cast %get3A_28 : vector<1x400x1xf32> to vector<400xf32>
      %get3A_30 = arith.constant 1 : index
      %get3A_31 = arith.constant 0 : index
      %get3A_32 = arith.constant 0 : index
      %get3A_33 = vector.load %arg4[%get3A_30, %get3A_31, %get3A_32] : memref<2x400x1xf32, #tpu.memory_space<vmem>>, vector<1x400x1xf32>
      %get3A_34 = vector.shape_cast %get3A_33 : vector<1x400x1xf32> to vector<400xf32>
      %add3A = arith.addf %get3A_29, %get3A_34 : vector<400xf32>
      %add3A_35 = arith.constant 1.000000e+00 : f32
      %add3A_36 = vector.broadcast %add3A_35 : f32 to vector<400xf32>
      %add3A_37 = arith.addf %add3A, %add3A_36 : vector<400xf32>
      %rsqrt3A = math.rsqrt %add3A_37 : vector<400xf32>
      %get3A_38 = arith.constant 0 : index
      %get3A_39 = arith.constant 0 : index
      %get3A_40 = arith.constant 0 : index
      %get3A_41 = vector.load %arg2[%get3A_38, %get3A_39, %get3A_40] : memref<2x400x128xf32, #tpu.memory_space<vmem>>, vector<1x400x128xf32>
      %get3A_42 = vector.shape_cast %get3A_41 : vector<1x400x128xf32> to vector<400x128xf32>
      %get3A_43 = arith.constant 1 : index
      %get3A_44 = arith.constant 0 : index
      %get3A_45 = arith.constant 0 : index
      %get3A_46 = vector.load %arg2[%get3A_43, %get3A_44, %get3A_45] : memref<2x400x128xf32, #tpu.memory_space<vmem>>, vector<1x400x128xf32>
      %get3A_47 = vector.shape_cast %get3A_46 : vector<1x400x128xf32> to vector<400x128xf32>
      %add3A_48 = arith.addf %get3A_42, %get3A_47 : vector<400x128xf32>
      %get3A_49 = arith.constant 0 : index
      %get3A_50 = arith.constant 0 : index
      %get3A_51 = vector.load %arg3[%get3A_49, %get3A_50] : memref<400x128xf32, #tpu.memory_space<vmem>>, vector<400x128xf32>
      %add3A_52 = arith.addf %add3A_48, %get3A_51 : vector<400x128xf32>
      %broadcast_in_dim3A_53 = vector.shape_cast %rsqrt3A : vector<400xf32> to vector<400x1xf32>
      %mul3A = vector.broadcast %broadcast_in_dim3A_53 : vector<400x1xf32> to vector<400x128xf32>
      %mul3A_54 = arith.mulf %add3A_52, %mul3A : vector<400x128xf32>
      %get3A_55 = arith.constant 0 : index
      %get3A_56 = arith.constant 0 : index
      %get3A_57 = vector.load %arg5[%get3A_55, %get3A_56] : memref<1x128xf32, #tpu.memory_space<vmem>>, vector<1x128xf32>
      %add3A_58 = vector.broadcast %get3A_57 : vector<1x128xf32> to vector<400x128xf32>
      %add3A_59 = arith.addf %mul3A_54, %add3A_58 : vector<400x128xf32>
      %get3A_60 = arith.constant 0 : index
      %get3A_61 = arith.constant 0 : index
      %get3A_62 = vector.load %arg6[%get3A_60, %get3A_61] : memref<128x128xf32, #tpu.memory_space<vmem>>, vector<128x128xf32>
      %dot_general3A = arith.constant dense<0.000000e+00> : vector<400x128xf32>
      %dot_general3A_63 = tpu.matmul %add3A_59, %get3A_62, %dot_general3A {dimension_numbers = #tpu.dot_dimension_numbers<[1], [0], [0], [1], [0, 0, 1, 1], [], []>, precision = #tpu.contract_precision<fp32>, transpose_lhs_hint = false} : vector<400x128xf32>, vector<128x128xf32>, vector<400x128xf32> -> vector<400x128xf32>
      %get3A_64 = arith.constant 0 : index
      %get3A_65 = arith.constant 0 : index
      %get3A_66 = vector.load %arg7[%get3A_64, %get3A_65] : memref<1x128xf32, #tpu.memory_space<vmem>>, vector<1x128xf32>
      %add3A_67 = vector.broadcast %get3A_66 : vector<1x128xf32> to vector<400x128xf32>
      %add3A_68 = arith.addf %dot_general3A_63, %add3A_67 : vector<400x128xf32>
      %max3A = arith.constant 0.000000e+00 : f32
      %max3A_69 = vector.broadcast %max3A : f32 to vector<400x128xf32>
      %max3A_70 = arith.maximumf %add3A_68, %max3A_69 : vector<400x128xf32>
      %get3A_71 = arith.constant 0 : index
      %get3A_72 = arith.constant 0 : index
      %get3A_73 = vector.load %arg8[%get3A_71, %get3A_72] : memref<128x1xf32, #tpu.memory_space<vmem>>, vector<128x1xf32>
      %dot_general3A_74 = arith.constant dense<0.000000e+00> : vector<400x1xf32>
      %dot_general3A_75 = tpu.matmul %max3A_70, %get3A_73, %dot_general3A_74 {dimension_numbers = #tpu.dot_dimension_numbers<[1], [0], [0], [1], [0, 0, 1, 1], [], []>, precision = #tpu.contract_precision<fp32>, transpose_lhs_hint = false} : vector<400x128xf32>, vector<128x1xf32>, vector<400x1xf32> -> vector<400x1xf32>
      %squeeze3A = vector.shape_cast %dot_general3A_75 : vector<400x1xf32> to vector<400xf32>
      %get3A_76 = arith.constant 0 : index
      %get3A_77 = arith.constant 0 : index
      %get3A_78 = vector.load %arg9[%get3A_76, %get3A_77] : memref<1x1xf32, #tpu.memory_space<vmem>>, vector<1x1xf32>
      %get3A_79 = vector.extract %get3A_78[0, 0] : f32 from vector<1x1xf32>
      %add3A_80 = vector.broadcast %get3A_79 : f32 to vector<400xf32>
      %add3A_81 = arith.addf %squeeze3A, %add3A_80 : vector<400xf32>
      %get3A_82 = arith.constant 0 : index
      %get3A_83 = arith.constant 0 : index
      %get3A_84 = arith.constant 0 : index
      %get3A_85 = vector.load %arg10[%get3A_82, %get3A_83, %get3A_84] : memref<1x1x400xi32, #tpu.memory_space<vmem>>, vector<1x1x400xi32>
      %get3A_86 = vector.shape_cast %get3A_85 : vector<1x1x400xi32> to vector<400xi32>
      %eq3A_87 = arith.constant 0 : i32
      %eq3A_88 = vector.broadcast %eq3A_87 : i32 to vector<400xi32>
      %eq3A_89 = arith.cmpi eq, %get3A_86, %eq3A_88 : vector<400xi32>
      %jit3A = arith.constant -1.000000e+09 : f32
      %broadcast_in_dim3A_90 = vector.broadcast %jit3A : f32 to vector<400xf32>
      %select_n3A = arith.select %eq3A_89, %broadcast_in_dim3A_90, %add3A_81 : vector<400xi1>, vector<400xf32>
      %swap3A = arith.index_cast %arg1 : i32 to index
      %swap3A_91 = arith.constant 0 : index
      %swap3A_92 = arith.constant 0 : index
      %swap3A_93 = vector.load %arg13[%swap3A, %swap3A_91, %swap3A_92] : memref<25x1x400xf32, #tpu.memory_space<vmem>>, vector<1x1x400xf32>
      %swap3A_94 = vector.shape_cast %swap3A_93 : vector<1x1x400xf32> to vector<400xf32>
      %swap3A_95 = vector.shape_cast %select_n3A : vector<400xf32> to vector<1x1x400xf32>
      tpu.vector_store %arg13[%swap3A, %swap3A_91, %swap3A_92], %swap3A_95 {strides = array<i32>} : memref<25x1x400xf32, #tpu.memory_space<vmem>>, vector<1x1x400xf32>,
      %eq3A_96 = arith.constant 0 : i32
      %eq3A_97 = arith.cmpi eq, %arg1, %eq3A_96 : i32
      %convert_element_type3A_98 = arith.extui %eq3A_97 : i1 to i32
      %cond3A_99 = arith.constant 0 : i32
      %cond3A_100 = arith.cmpi ne, %convert_element_type3A_98, %cond3A_99 : i32
      scf.if %cond3A_100 {
        %broadcast_in_dim3A_116 = arith.constant -3.000000e+38 : f32
        %broadcast_in_dim3A_117 = vector.broadcast %broadcast_in_dim3A_116 : f32 to vector<1x64xf32>
        %swap3A_118 = arith.constant 0 : index
        %swap3A_119 = arith.constant 0 : index
        %swap3A_120 = vector.load %arg14[%swap3A_118, %swap3A_119] : memref<1x64xf32, #tpu.memory_space<vmem>>, vector<1x64xf32>
        tpu.vector_store %arg14[%swap3A_118, %swap3A_119], %broadcast_in_dim3A_117 {strides = array<i32>} : memref<1x64xf32, #tpu.memory_space<vmem>>, vector<1x64xf32>,
      } else {
      }
      %broadcast_in_dim3A_101 = vector.shape_cast %select_n3A : vector<400xf32> to vector<400x1xf32>
      %jit3A_102 = arith.constant -3.000000e+38 : f32
      %broadcast_in_dim3A_103 = vector.shape_cast %broadcast_in_dim3A_101 : vector<400x1xf32> to vector<400x1xf32>
      %broadcast_in_dim3A_104 = vector.broadcast %broadcast_in_dim3A_103 : vector<400x1xf32> to vector<400x64xf32>
      %broadcast_in_dim3A_105 = vector.broadcast %jit3A_102 : f32 to vector<400x64xf32>
      %select_n3A_106 = arith.select %eq3A_4, %broadcast_in_dim3A_104, %broadcast_in_dim3A_105 : vector<400x64xi1>, vector<400x64xf32>
      %reduce_max3A = arith.constant dense<0xFF800000> : vector<64xf32>
      %reduce_max3A_107 = vector.multi_reduction <maximumf>, %select_n3A_106, %reduce_max3A [0] : vector<400x64xf32> to vector<64xf32>
      %get3A_108 = arith.constant 0 : index
      %get3A_109 = arith.constant 0 : index
      %get3A_110 = vector.load %arg14[%get3A_108, %get3A_109] : memref<1x64xf32, #tpu.memory_space<vmem>>, vector<1x64xf32>
      %broadcast_in_dim3A_111 = vector.shape_cast %reduce_max3A_107 : vector<64xf32> to vector<1x64xf32>
      %max3A_112 = arith.maximumf %get3A_110, %broadcast_in_dim3A_111 : vector<1x64xf32>
      %swap3A_113 = arith.constant 0 : index
      %swap3A_114 = arith.constant 0 : index
      %swap3A_115 = vector.load %arg14[%swap3A_113, %swap3A_114] : memref<1x64xf32, #tpu.memory_space<vmem>>, vector<1x64xf32>
      tpu.vector_store %arg14[%swap3A_113, %swap3A_114], %max3A_112 {strides = array<i32>} : memref<1x64xf32, #tpu.memory_space<vmem>>, vector<1x64xf32>,
    } else {
    }
    %eq3A_8 = arith.constant 1 : i32
    %eq3A_9 = arith.cmpi eq, %arg0, %eq3A_8 : i32
    %eq3A_10 = arith.constant 0 : i32
    %eq3A_11 = arith.cmpi eq, %arg1, %eq3A_10 : i32
    %and3A = arith.andi %eq3A_9, %eq3A_11 : i1
    %convert_element_type3A_12 = arith.extui %and3A : i1 to i32
    %cond3A_13 = arith.constant 0 : i32
    %cond3A_14 = arith.cmpi ne, %convert_element_type3A_12, %cond3A_13 : i32
    scf.if %cond3A_14 {
      %broadcast_in_dim3A_25 = arith.constant 0.000000e+00 : f32
      %broadcast_in_dim3A_26 = vector.broadcast %broadcast_in_dim3A_25 : f32 to vector<1x64xf32>
      %swap3A = arith.constant 0 : index
      %swap3A_27 = arith.constant 0 : index
      %swap3A_28 = vector.load %arg15[%swap3A, %swap3A_27] : memref<1x64xf32, #tpu.memory_space<vmem>>, vector<1x64xf32>
      tpu.vector_store %arg15[%swap3A, %swap3A_27], %broadcast_in_dim3A_26 {strides = array<i32>} : memref<1x64xf32, #tpu.memory_space<vmem>>, vector<1x64xf32>,
    } else {
    }
    %eq3A_15 = arith.constant 1 : i32
    %eq3A_16 = arith.cmpi eq, %arg0, %eq3A_15 : i32
    %convert_element_type3A_17 = arith.extui %eq3A_16 : i1 to i32
    %cond3A_18 = arith.constant 0 : i32
    %cond3A_19 = arith.cmpi ne, %convert_element_type3A_17, %cond3A_18 : i32
    scf.if %cond3A_19 {
      %get3A_25 = arith.index_cast %arg1 : i32 to index
      %get3A_26 = arith.constant 0 : index
      %get3A_27 = arith.constant 0 : index
      %get3A_28 = vector.load %arg13[%get3A_25, %get3A_26, %get3A_27] : memref<25x1x400xf32, #tpu.memory_space<vmem>>, vector<1x1x400xf32>
      %get3A_29 = vector.shape_cast %get3A_28 : vector<1x1x400xf32> to vector<400xf32>
      %get3A_30 = arith.constant 0 : index
      %get3A_31 = arith.constant 0 : index
      %get3A_32 = vector.load %arg14[%get3A_30, %get3A_31] : memref<1x64xf32, #tpu.memory_space<vmem>>, vector<1x64xf32>
      %broadcast_in_dim3A_33 = vector.shape_cast %get3A_32 : vector<1x64xf32> to vector<1x64xf32>
      %broadcast_in_dim3A_34 = vector.broadcast %broadcast_in_dim3A_33 : vector<1x64xf32> to vector<400x64xf32>
      %jit3A = arith.constant 0.000000e+00 : f32
      %broadcast_in_dim3A_35 = vector.broadcast %jit3A : f32 to vector<400x64xf32>
      %select_n3A = arith.select %eq3A_4, %broadcast_in_dim3A_34, %broadcast_in_dim3A_35 : vector<400x64xi1>, vector<400x64xf32>
      %reduce_sum3A = arith.constant dense<0.000000e+00> : vector<400xf32>
      %reduce_sum3A_36 = vector.multi_reduction <add>, %select_n3A, %reduce_sum3A [1] : vector<400x64xf32> to vector<400xf32>
      %sub3A = arith.subf %get3A_29, %reduce_sum3A_36 : vector<400xf32>
      %exp3A = math.exp %sub3A : vector<400xf32>
      %swap3A = arith.index_cast %arg1 : i32 to index
      %swap3A_37 = arith.constant 0 : index
      %swap3A_38 = arith.constant 0 : index
      %swap3A_39 = vector.load %arg16[%swap3A, %swap3A_37, %swap3A_38] : memref<25x1x400xf32, #tpu.memory_space<vmem>>, vector<1x1x400xf32>
      %swap3A_40 = vector.shape_cast %swap3A_39 : vector<1x1x400xf32> to vector<400xf32>
      %swap3A_41 = vector.shape_cast %exp3A : vector<400xf32> to vector<1x1x400xf32>
      tpu.vector_store %arg16[%swap3A, %swap3A_37, %swap3A_38], %swap3A_41 {strides = array<i32>} : memref<25x1x400xf32, #tpu.memory_space<vmem>>, vector<1x1x400xf32>,
      %get3A_42 = arith.constant 0 : index
      %get3A_43 = arith.constant 0 : index
      %get3A_44 = vector.load %arg15[%get3A_42, %get3A_43] : memref<1x64xf32, #tpu.memory_space<vmem>>, vector<1x64xf32>
      %broadcast_in_dim3A_45 = vector.shape_cast %exp3A : vector<400xf32> to vector<400x1xf32>
      %jit3A_46 = arith.constant 0.000000e+00 : f32
      %broadcast_in_dim3A_47 = vector.shape_cast %broadcast_in_dim3A_45 : vector<400x1xf32> to vector<400x1xf32>
      %broadcast_in_dim3A_48 = vector.broadcast %broadcast_in_dim3A_47 : vector<400x1xf32> to vector<400x64xf32>
      %broadcast_in_dim3A_49 = vector.broadcast %jit3A_46 : f32 to vector<400x64xf32>
      %select_n3A_50 = arith.select %eq3A_4, %broadcast_in_dim3A_48, %broadcast_in_dim3A_49 : vector<400x64xi1>, vector<400x64xf32>
      %reduce_sum3A_51 = arith.constant dense<0.000000e+00> : vector<64xf32>
      %reduce_sum3A_52 = vector.multi_reduction <add>, %select_n3A_50, %reduce_sum3A_51 [0] : vector<400x64xf32> to vector<64xf32>
      %broadcast_in_dim3A_53 = vector.shape_cast %reduce_sum3A_52 : vector<64xf32> to vector<1x64xf32>
      %add3A = arith.addf %get3A_44, %broadcast_in_dim3A_53 : vector<1x64xf32>
      %swap3A_54 = arith.constant 0 : index
      %swap3A_55 = arith.constant 0 : index
      %swap3A_56 = vector.load %arg15[%swap3A_54, %swap3A_55] : memref<1x64xf32, #tpu.memory_space<vmem>>, vector<1x64xf32>
      tpu.vector_store %arg15[%swap3A_54, %swap3A_55], %add3A {strides = array<i32>} : memref<1x64xf32, #tpu.memory_space<vmem>>, vector<1x64xf32>,
    } else {
    }
    %eq3A_20 = arith.constant 2 : i32
    %eq3A_21 = arith.cmpi eq, %arg0, %eq3A_20 : i32
    %convert_element_type3A_22 = arith.extui %eq3A_21 : i1 to i32
    %cond3A_23 = arith.constant 0 : i32
    %cond3A_24 = arith.cmpi ne, %convert_element_type3A_22, %cond3A_23 : i32
    scf.if %cond3A_24 {
      %get3A_25 = arith.constant 0 : index
      %get3A_26 = arith.constant 0 : index
      %get3A_27 = vector.load %arg15[%get3A_25, %get3A_26] : memref<1x64xf32, #tpu.memory_space<vmem>>, vector<1x64xf32>
      %broadcast_in_dim3A_28 = vector.shape_cast %get3A_27 : vector<1x64xf32> to vector<1x64xf32>
      %broadcast_in_dim3A_29 = vector.broadcast %broadcast_in_dim3A_28 : vector<1x64xf32> to vector<400x64xf32>
      %jit3A = arith.constant 0.000000e+00 : f32
      %broadcast_in_dim3A_30 = vector.broadcast %jit3A : f32 to vector<400x64xf32>
      %select_n3A = arith.select %eq3A_4, %broadcast_in_dim3A_29, %broadcast_in_dim3A_30 : vector<400x64xi1>, vector<400x64xf32>
      %reduce_sum3A = arith.constant dense<0.000000e+00> : vector<400xf32>
      %reduce_sum3A_31 = vector.multi_reduction <add>, %select_n3A, %reduce_sum3A [1] : vector<400x64xf32> to vector<400xf32>
      %get3A_32 = arith.index_cast %arg1 : i32 to index
      %get3A_33 = arith.constant 0 : index
      %get3A_34 = arith.constant 0 : index
      %get3A_35 = vector.load %arg16[%get3A_32, %get3A_33, %get3A_34] : memref<25x1x400xf32, #tpu.memory_space<vmem>>, vector<1x1x400xf32>
      %get3A_36 = vector.shape_cast %get3A_35 : vector<1x1x400xf32> to vector<400xf32>
      %div3A = arith.divf %get3A_36, %reduce_sum3A_31 : vector<400xf32>
      %swap3A = arith.constant 0 : index
      %swap3A_37 = arith.constant 0 : index
      %swap3A_38 = arith.constant 0 : index
      %swap3A_39 = vector.load %arg12[%swap3A, %swap3A_37, %swap3A_38] : memref<1x1x400xf32, #tpu.memory_space<vmem>>, vector<1x1x400xf32>
      %swap3A_40 = vector.shape_cast %swap3A_39 : vector<1x1x400xf32> to vector<400xf32>
      %swap3A_41 = vector.shape_cast %div3A : vector<400xf32> to vector<1x1x400xf32>
      tpu.vector_store %arg12[%swap3A, %swap3A_37, %swap3A_38], %swap3A_41 {strides = array<i32>} : memref<1x1x400xf32, #tpu.memory_space<vmem>>, vector<1x1x400xf32>,
    } else {
    }
    return
  }
  func.func @transform_0(%arg0: i32, %arg1: i32) -> (i32, i32, i32) {
    %c0_i32 = arith.constant 0 : i32
    %c0_i32_0 = arith.constant 0 : i32
    %c0_i32_1 = arith.constant 0 : i32
    return %c0_i32, %arg1, %c0_i32_0 : i32, i32, i32
  }
  func.func @transform_1(%arg0: i32, %arg1: i32) -> (i32, i32) {
    %c0_i32 = arith.constant 0 : i32
    %c0_i32_0 = arith.constant 0 : i32
    return %arg1, %c0_i32 : i32, i32
  }
  func.func @transform_2(%arg0: i32, %arg1: i32) -> (i32, i32, i32) {
    %c0_i32 = arith.constant 0 : i32
    %c0_i32_0 = arith.constant 0 : i32
    %c0_i32_1 = arith.constant 0 : i32
    return %c0_i32, %arg1, %c0_i32_0 : i32, i32, i32
  }
  func.func @transform_3(%arg0: i32, %arg1: i32) -> (i32, i32) {
    %c0_i32 = arith.constant 0 : i32
    %c0_i32_0 = arith.constant 0 : i32
    %c0_i32_1 = arith.constant 0 : i32
    return %c0_i32, %c0_i32_0 : i32, i32
  }
  func.func @transform_4(%arg0: i32, %arg1: i32) -> (i32, i32) {
    %c0_i32 = arith.constant 0 : i32
    %c0_i32_0 = arith.constant 0 : i32
    %c0_i32_1 = arith.constant 0 : i32
    return %c0_i32, %c0_i32_0 : i32, i32
  }
  func.func @transform_5(%arg0: i32, %arg1: i32) -> (i32, i32) {
    %c0_i32 = arith.constant 0 : i32
    %c0_i32_0 = arith.constant 0 : i32
    %c0_i32_1 = arith.constant 0 : i32
    return %c0_i32, %c0_i32_0 : i32, i32
  }
  func.func @transform_6(%arg0: i32, %arg1: i32) -> (i32, i32) {
    %c0_i32 = arith.constant 0 : i32
    %c0_i32_0 = arith.constant 0 : i32
    %c0_i32_1 = arith.constant 0 : i32
    return %c0_i32, %c0_i32_0 : i32, i32
  }
  func.func @transform_7(%arg0: i32, %arg1: i32) -> (i32, i32) {
    %c0_i32 = arith.constant 0 : i32
    %c0_i32_0 = arith.constant 0 : i32
    %c0_i32_1 = arith.constant 0 : i32
    return %c0_i32, %c0_i32_0 : i32, i32
  }
  func.func @transform_8(%arg0: i32, %arg1: i32) -> (i32, i32, i32) {
    %c0_i32 = arith.constant 0 : i32
    %c0_i32_0 = arith.constant 0 : i32
    %c0_i32_1 = arith.constant 0 : i32
    return %arg1, %c0_i32, %c0_i32_0 : i32, i32, i32
  }
  func.func @transform_9(%arg0: i32, %arg1: i32) -> (i32, i32, i32) {
    %c0_i32 = arith.constant 0 : i32
    %c0_i32_0 = arith.constant 0 : i32
    %c0_i32_1 = arith.constant 0 : i32
    return %arg1, %c0_i32, %c0_i32_0 : i32, i32, i32
  }
  func.func @transform_10(%arg0: i32, %arg1: i32) -> (i32, i32, i32) {
    %c0_i32 = arith.constant 0 : i32
    %c0_i32_0 = arith.constant 0 : i32
    %c0_i32_1 = arith.constant 0 : i32
    return %arg1, %c0_i32, %c0_i32_0 : i32, i32, i32
  }
}

</mosaic_0001>

<sc_bundles>
// kernel: kernel.11.cloned.1.call-start
scs
__scs_entry_jumppad:
0x0: {  	(pc) =	sbr.rel $0x88, $3  }
0x1: {  	(tag) =	ssettag $0x0;
	lr =	simm.s32 $0x1  }
0x2: {  	[smem:$0x3F95] =	sst lr;
	_ =	strace $0xD0000000  }
0x3: {  	_ = 	snop  }
0x4: {  	_ = 	snop  }
0x5: {  	_ = 	snop  }
0x6: {  	_ = 	snop  }
0x7: {  	_ = 	snop  }
__scs_overlays_trampoline_lowered:
0x8: {  	[smem:$0x3FA4] =	sst s0  }
0x9: {  	[smem:$0x3FA5] =	sst s1  }
0xa: {  	[smem:$0x3FA6] =	sst s2  }
0xb: {  	[smem:$0x3FA7] =	sst s3  }
0xc: {  	[smem:$0x3FA8] =	sst s4  }
0xd: {  	[smem:$0x3FA9] =	sst s5  }
0xe: {  	[smem:$0x3FAA] =	sst s6  }
0xf: {  	[smem:$0x3FAB] =	sst s7  }
0x10: {  	[smem:$0x3FAC] =	sst s8  }
0x11: {  	[smem:$0x3FAD] =	sst s9;
	s0 =	simm.s32 @!p0 $0x0  }
0x12: {  	s1 =	sld [smem:$0x3F93];
	s0 =	simm.s32 @p0 $0x1  }
0x13: {  	[smem:$0x3FAE] =	sst s0;
	s0 =	simm.s32 @!p1 $0x0  }
0x14: {  	s2 =	sld [smem:$0x3F92];
	s0 =	simm.s32 @p1 $0x1  }
0x15: {  	[smem:$0x3FAF] =	sst s0;
	s0 =	simm.s32 @!p2 $0x0  }
0x16: {  	s3 =	sld [smem:$0x3FDB];
	s0 =	simm.s32 @p2 $0x1  }
0x17: {  	s4 =	simm.s32 $0x1BF5;
	[smem:$0x3FB1] =	sst s0  }
0x18: {  	s0 =	sld [smem:$0x3F94];
	_ =	swait.ge [sflag:s4], $0x0  }
0x19: {  	s7 =	sld [smem:$0x3F95]  }
0x1a: {  	s8 =	sadd.s32 $0xFFFFE003, lr  }
0x1b: {  	s9 =	sadd.s32 $0xFFFFFEF7, lr;
	s5 =	simm.s32 $0xFFFFFFFF;
	p2 =	slt.u32 s8, $0xFFFFF086  }
0x1c: {  	p1 =	slt.u32 s9, $0xF7A;
	s5 =	simm.s32 @!p2 $0x0  }
0x1d: {  	s5 =	simm.s32 @p1 $0x1;
	p0 =	seq.s32 s7, s2  }
0x1e: {  	s7 =	smul.u32 @!p0 $0xF7A, s2;
	p2 =	seq.s32 @!p0 s5, $0x0  }
0x1f: {  	s9 =	smul.u32 $0xF7A, s1;
	s8 =	simm.s32 @!p0 $0x1BF5;
	p2 =	por !p2, p0  }
0x20: {  	[sflag:s8] =	ssyncset.s32 @!p0 $0xFFFFF086;
	s6 =	sadd.s32 @!p0 s3, s7;
	s7 =	simm.s32 @!p0 $0x108  }
0x21: {  	s3 =	sadd.s32 s3, s9;
	s6 =	sadd.s32 @!p0 $0x88, s6;
	s7 =	simm.s32 @p2 $0x1082  }
0x22: {  	[simem:s7], [sflag:s8] =	dma.local @!p0 [hbm:s6], $0xF7A  }
0x23: {  	s9 =	sor.u32 $0xD0000000, s2;
	s6 =	simm.s32 $0x108;
	_ =	swait.ge @!p0 [sflag:s8], $0x0  }
0x24: {  	s3 =	sadd.s32 $0x88, s3;
	s6 =	simm.s32 @!p1 $0x1082;
	[sflag:s4] =	ssyncset.s32 $0xFFFFF086  }
0x25: {  	[simem:s6], [sflag:s4] =	dma.local [hbm:s3], $0xF7A  }
0x26: {  	[smem:$0x3F95] =	sst s1;
	(tag) =	ssettag s2;
	_ =	strace s9  }
0x27: {  	s1 =	sld [smem:$0x3FA5]  }
0x28: {  	s2 =	sld [smem:$0x3FA6]  }
0x29: {  	s4 =	sld [smem:$0x3FA8]  }
0x2a: {  	p0 =	seq.s32 s5, $0x0;
	s5 =	sld [smem:$0x3FA9]  }
0x2b: {  	s6 =	sld [smem:$0x3FAA]  }
0x2c: {  	s7 =	sld [smem:$0x3FAB]  }
0x2d: {  	s3 =	simm.s32 $0x108;
	s8 =	sld [smem:$0x3FAC]  }
0x2e: {  	s3 =	simm.s32 @!p0 $0x1082;
	s9 =	sld [smem:$0x3FAD]  }
0x2f: {  	lr =	sadd.s32 s0, s3;
	s0 =	sld [smem:$0x3FA4]  }
0x30: {  	s3 =	sld [smem:$0x3FA7]  }
0x31: {  	[smem:$0x3FB0] =	sst s10  }
0x32: {  	s10 =	sld [smem:$0x3FAE];
	_ =	sdelay $0x3  }
0x33: {  	p0 =	seq.s32 s10, $0x1;
	s10 =	sld [smem:$0x3FB0];
	_ =	sdelay $0x3  }
0x34: {  	[smem:$0x3FB0] =	sst s10  }
0x35: {  	s10 =	sld [smem:$0x3FAF];
	_ =	sdelay $0x3  }
0x36: {  	p1 =	seq.s32 s10, $0x1;
	s10 =	sld [smem:$0x3FB0];
	_ =	sdelay $0x3  }
0x37: {  	[smem:$0x3FB0] =	sst s10  }
0x38: {  	s10 =	sld [smem:$0x3FB1]  }
0x39: {  	_ = 	snop;
	(pc) =	sbr.ind lr, $3  }
0x3a: {  	_ = 	snop  }
0x3b: {  	_ = 	snop  }
0x3c: {  	p2 =	seq.s32 s10, $0x1;
	s10 =	sld [smem:$0x3FB0]  }
0x3d: {  	_ =	shalt  }
0x3e: {  	_ =	shalt  }
0x3f: {  	_ =	shalt  }
0x40: {  	_ =	shalt  }
0x41: {  	_ =	shalt  }
0x42: {  	_ =	shalt  }
0x43: {  	_ =	shalt  }
0x44: {  	_ =	shalt  }
0x45: {  	_ =	shalt  }
0x46: {  	_ =	shalt  }
0x47: {  	_ =	shalt  }
0x48: {  	_ =	shalt  }
0x49: {  	_ =	shalt  }
0x4a: {  	_ =	shalt  }
0x4b: {  	_ =	shalt  }
0x4c: {  	_ =	shalt  }
0x4d: {  	_ =	shalt  }
0x4e: {  	_ =	shalt  }
0x4f: {  	_ =	shalt  }
0x50: {  	_ =	shalt  }
0x51: {  	_ =	shalt  }
0x52: {  	_ =	shalt  }
0x53: {  	_ =	shalt  }
0x54: {  	_ =	shalt  }
0x55: {  	_ =	shalt  }
0x56: {  	_ =	shalt  }
0x57: {  	_ =	shalt  }
0x58: {  	_ =	shalt  }
0x59: {  	_ =	shalt  }
0x5a: {  	_ =	shalt  }
0x5b: {  	_ =	shalt  }
0x5c: {  	_ =	shalt  }
0x5d: {  	_ =	shalt  }
0x5e: {  	_ =	shalt  }
0x5f: {  	_ =	shalt  }
0x60: {  	_ =	shalt  }
0x61: {  	_ =	shalt  }
0x62: {  	_ =	shalt  }
0x63: {  	_ =	shalt  }
0x64: {  	_ =	shalt  }
0x65: {  	_ =	shalt  }
0x66: {  	_ =	shalt  }
0x67: {  	_ =	shalt  }
0x68: {  	_ =	shalt  }
0x69: {  	_ =	shalt  }
0x6a: {  	_ =	shalt  }
0x6b: {  	_ =	shalt  }
0x6c: {  	_ =	shalt  }
0x6d: {  	_ =	shalt  }
0x6e: {  	_ =	shalt  }
0x6f: {  	_ =	shalt  }
0x70: {  	_ =	shalt  }
0x71: {  	_ =	shalt  }
0x72: {  	_ =	shalt  }
0x73: {  	_ =	shalt  }
0x74: {  	_ =	shalt  }
0x75: {  	_ =	shalt  }
0x76: {  	_ =	shalt  }
0x77: {  	_ =	shalt  }
0x78: {  	_ =	shalt  }
0x79: {  	_ =	shalt  }
0x7a: {  	_ =	shalt  }
0x7b: {  	_ =	shalt  }
0x7c: {  	_ =	shalt  }
0x7d: {  	_ =	shalt  }
0x7e: {  	_ =	shalt  }
0x7f: {  	_ =	shalt  }
0x80: {  	_ =	shalt  }
0x81: {  	_ =	shalt  }
0x82: {  	_ =	shalt  }
0x83: {  	_ =	shalt  }
0x84: {  	_ =	shalt  }
0x85: {  	_ =	shalt  }
0x86: {  	_ =	shalt  }
0x87: {  	_ =	shalt  }
.Lfunc_end0:
.L_simem_size_0:
called_computation.1_lowered:
.L_overlay_start_0:
0x88: {  	s2 =	sld [smem:$0x3FD9]  }
0x89: {  	s3 =	sld [smem:$0x3FFE];
	_ =	sdelay $0x1  }
0x8a: {  	s1 =	srdreg.scid  }
0x8b: {  	s0 =	sand.u32 $0x1, s1  }
0x8c: {  	s16 =	sshll.u32 s0, $0xA;
	s2 =	sadd.s32 s3, s2  }
0x8d: {  	s2 =	sadd.s32 s2, s16  }
0x8e: {  	[smem:$0x3FBC] =	sst s2  }
0x8f: {  	_ = 	snop  }
0x90: {  	(tm) =	ssettm $0x1  }
0x91: {  	s17 =	sld [smem:$0x3FFB];
	_ =	sdelay $0x3  }
0x92: {  	_ =	strace s17  }
0x93: {  	s2 =	sld [smem:$0x3FFC];
	_ =	sdelay $0x3  }
0x94: {  	_ =	strace s2  }
0x95: {  	s2 =	sld [smem:$0x3FFD];
	_ =	sdelay $0x3  }
0x96: {  	_ =	strace s2  }
0x97: {  	_ =	strace $0x8FFFFFFF  }
0x98: {  	s18 =	sld [smem:$0x3FDB];
	_ =	sdelay $0x1  }
0x99: {  	s19 =	simm.s32 $_scs_section_size  }
0x9a: {  	s4 =	simm.s32 $_size__tile_overlayer_lowered;
	s5 =	simm.s32 $_tile_overlayer_lowered  }
0x9b: {  	s22 =	simm.s32 $0x1BFF;
	s21 =	sshll.u32 s5, $0x1;
	s2 =	sadd.s32 s19, s18  }
0x9c: {  	s6 =	simm.s32 $0x0;
	s20 =	sshll.u32 s4, $0x1;
	s4 =	sadd.s32 s21, s2  }
0x9d: {  	[timem:s6], [sflag:s22] =	dma.local [hbm:s4], s20  }
0x9e: {  	_ =	swait.ge [sflag:s22], s20  }
0x9f: {  	s3 =	ssub.s32 $0x0, s20;
	[sflag:s22] =	ssyncset.done $0x0  }
0xa0: {  	[sflag:s22] =	ssyncadd.s32 s3;
	_ =	sdelay $0x1  }
0xa1: {  	s23 =	simm.s32 $0x1B8B  }
0xa2: {  	_ =	swait.ge [sflag:s23], $0x1  }
0xa3: {  	[sflag:s23] =	ssyncset.done $0x0  }
0xa4: {  	s25 =	simm.s32 $0x1B8E;
	s24 =	sld [smem:$0x3FFE];
	[sflag:s23] =	ssyncadd.s32 $0xFFFFFFFF  }
0xa5: {  	s26 =	simm.s32 $execute0_lowered;
	[smem:$0x3FD2] =	sst s25  }
0xa6: {  	s4 =	sshll.u32 s26, $0x1;
	_ =	strace $0x80000049;
	[dreg:$0x1] =	wrdreg $0xFFFFFFFF  }
0xa7: {  	s28 =	simm.s32 $_size_execute0_lowered;
	s2 =	sadd.s32 s2, s4;
	[dreg:$0x0] =	wrdreg $0x0  }
0xa8: {  	s4 =	sshll.u32 s28, $0x1;
	[dreg:$0x2] =	wrdreg s2  }
0xa9: {  	[dreg:$0x3] =	wrdreg s4  }
0xaa: {  	[dreg:$0x4] =	wrdreg $0xC0  }
0xab: {  	_ =	task [dreg:s6], $0x5FFFF  }
0xac: {  	[dreg:$0x1] =	wrdreg $0xFFFFFFFF  }
0xad: {  	[dreg:$0x0] =	wrdreg $0x60  }
0xae: {  	[dreg:$0x2] =	wrdreg s24  }
0xaf: {  	[dreg:$0x3] =	wrdreg $0x52000  }
0xb0: {  	[dreg:$0x4] =	wrdreg $0x9  }
0xb1: {  	_ =	task.clear_ibuf [dreg:s6], $0x5FFFF;
	_ =	strace $0x90000049  }
0xb2: {  	s29 =	simm.s32 $0x9;
	_ =	strace $0x8000004B  }
0xb3: {  	_ =	swait.ge [sflag:s29], $0x1  }
0xb4: {  	[sflag:s29] =	ssyncadd.s32 $0xFFFFFFFF  }
0xb5: {  	_ =	strace $0x9000004B  }
0xb6: {  	_ =	sfence  }
0xb7: {  	s30 =	sld [smem:$0x0];
	_ =	sdelay $0x2  }
0xb8: {  	s31 =	sshll.u32 s1, $0xD;
	s1 =	sshrl.u32 s1, $0x2  }
0xb9: {  	s3 =	sand.u32 $0x4000, s31;
	s1 =	sadd.s32 s1, s30  }
0xba: {  	s0 =	sor.u32 s3, s0;
	s1 =	sshll.u32 s1, $0x11  }
0xbb: {  	s0 =	sor.u32 s1, s0  }
0xbc: {  	s0 =	sadd.s32 $0x8F2B, s0  }
0xbd: {  	[sflag:s0] =	ssyncadd.remote.s32 $0x1  }
0xbe: {  	_ =	sfence.sel $0xFFFF  }
0xbf: {  	[dreg:$0x0] =	wrdreg $0xFFFFFFFF;
	(pc) =	sbr.abs _section_cstart, $3  }
0xc0: {  	[dreg:$0x1] =	wrdreg $0xFFFFFFFF  }
0xc1: {  	_ =	task.clear_ibuf [dreg:s6], $0x2FFFF;
	_ =	strace $0x9FFFFFFF  }
0xc2: {  	(tm) =	ssettm $0x7FFFFFFF  }
0xc3: {  	_ =	shalt  }
tec
execute0_lowered:
.L_overlay_start_1:
0x0: {  	(tag) =	ssettag $0x1  }
0x1: {  	s0 =	rddreg [dreg:$0x0]  }
0x2: {  	s1 =	rddreg [dreg:$0x1]  }
0x3: {  	s2 =	srdreg.scid;
	s5 =	stileid.u32  }
0x4: {  	s28 =	simm.s32 $0x3;
	s29 =	simm.s32 $0x7;
	s30 =	simm.s32 $0x6  }
0x5: {  	s31 =	simm.s32 $0x4;
	s4 =	sand.u32 $0x1, s2;
	s2 =	simm.s32 $0x0  }
0x6: {  	s15 =	sadd.s32 $0x22A00, s0;
	s16 =	sadd.s32 $0x13000, s0;
	s10 =	sadd.s32 $0xA9600, s0  }
0x7: {  	s21 =	smul.u32 $0x7D, s5;
	p0 =	sne.s32 s5, $0x0;
	s3 =	sshll.u32 s4, $0x4  }
0x8: {  	[smem:$0x7FF] =	sst s2;
	s6 =	smul.u32 $0x28000, s4;
	s18 =	ssub.s32 $0x2, s4  }
0x9: {  	s4 =	smul.u32 $0x7D0, s4;
	s17 =	sshrl.u32 @!p0 s1, $0x3;
	s8 =	sor.u32 s5, s3  }
0xa: {  	_ =	strace $0x8000004A;
	s3 =	sadd.s32 $0x82400, s0;
	s7 =	smul.u32 $0x3E80, s8  }
0xb: {  	[dreg:$0x3] =	wrdreg s10;
	s19 =	sshrl.u32 s18, $0x1;
	s9 =	smul.u32 $0x280, s8  }
0xc: {  	s0 =	sadd.s32 s6, s0;
	s10 =	ssub.s32 s18, s19;
	s12 =	smul.u32 $0x7D0, s8  }
0xd: {  	s4 =	sadd.s32 s21, s4;
	s18 =	simm.s32 $0x100;
	s19 =	simm.s32 $0x80  }
0xe: {  	s21 =	simm.s32 $0x1;
	s24 =	sshll.u32 s4, $0x4;
	s10 =	smax.u32 s10, $0x1  }
0xf: {  	s11 =	sand.u32 $0x7FC00, s7;
	s9 =	sand.u32 $0x380, s9;
	s7 =	sshrl.u32 s7, $0x3  }
0x10: {  	s25 =	sadd.s32 $0x7C0, s12;
	s14 =	sadd.s32 $0x30, s24;
	s26 =	sadd.s32 s24, s16  }
0x11: {  	s20 =	sor.u32 s9, s11;
	s23 =	sadd.s32 $0x10, s7;
	s9 =	sadd.s32 $0xD1600, s0  }
0x12: {  	s11 =	sadd.s32 s15, s25;
	s12 =	sadd.s32 s16, s25;
	s13 =	sadd.s32 s14, s16  }
0x13: {  	s14 =	sadd.s32 s14, s15;
	s0 =	sadd.s32 s24, s15;
	s24 =	simm.s32 $0x5  }
0x14: {  	s25 =	simm.s32 $0x2;
	s6 =	sshrl.u32 s20, $0x3;
	s7 =	sadd.s32 s15, s23  }
0x15: {  	s8 =	sadd.s32 s16, s23;
	s20 =	simm.s32 $0x180;
	s23 =	simm.s32 $0x200  }
0x16: {  	s22 =	sadd.s32 s15, s6;
	s6 =	sadd.s32 s16, s6;
	s15 =	sadd.s32 $0x20, s26  }
0x17: {  	s16 =	sadd.s32 $0x20, s0;
	s26 =	simm.s32 $0x2A00;
	[dreg:$0x4] =	wrdreg s22  }
0x18: {  	s0 =	simm.s32 $0x0;
	[dreg:$0x5] =	wrdreg s6;
	s22 =	simm.s32 $0x50  }
.LBB2_1:
0x19: {  	s4 =	simm.s32 @!p0 $0x1C07;
	s5 =	rddreg [dreg:$0x3]  }
0x1a: {  	[spmem:s17], [sflag:s4] =	dma.local @!p0 [hbm:s5], $0x28000  }
0x1b: {  	s4 =	simm.s32 @!p0 $0x7  }
0x1c: {  	_ =	swait.ge @!p0 [sflag:s4], $0x28000  }
0x1d: {  	[sflag:s4] =	ssyncset.done @!p0 $0x0  }
0x1e: {  	[sflag:s4] =	ssyncadd.s32 @!p0 $0xFFFD8000  }
0x1f: {  	[bflag:$0x0] =	sbarrier.arrive $0xFFFF  }
0x20: {  	s6 =	rddreg [dreg:$0x4]  }
0x21: {  	[tilespmem:s2], [sflag:$0x1] =	stream.linear.gather [hbm4b:s6+s2], $0x80, $0x38;
	[tilespmem:$0x19200] =	vst v63  }
0x22: {  	s5 =	rddreg [dreg:$0x5]  }
0x23: {  	[tilespmem:s18], [sflag:$0x3] =	stream.linear.gather [hbm4b:s5+s2], $0x80, $0x38;
	[tilespmem:$0x19200] =	vst v63  }
0x24: {  	_ = 	snop  }
0x25: {  	[tilespmem:s19], [sflag:$0x2] =	stream.linear.gather [hbm4b:s7+s2], $0x80, $0x38;
	[tilespmem:$0x19200] =	vst v63  }
0x26: {  	_ = 	snop  }
0x27: {  	[tilespmem:s20], [sflag:$0x4] =	stream.linear.gather [hbm4b:s8+s2], $0x80, $0x38;
	[tilespmem:$0x19200] =	vst v63  }
0x28: {  	_ =	swait.ge [sflag:s21], $0x80  }
0x29: {  	[sflag:s21] =	ssyncset.done $0x0  }
0x2a: {  	[sflag:s21] =	ssyncadd.s32 $0xFFFFFF80  }
0x2b: {  	[tilespmem:s23], [sflag:$0x5] =	stream.indirect.gather [hbm4b:s3+s22], $0x80, s2, s22, $0xb8;
	[tilespmem:$0x19200] =	vst v63  }
0x2c: {  	_ =	swait.ge [sflag:s24], $0x2800  }
0x2d: {  	[sflag:s24] =	ssyncset.done $0x0  }
0x2e: {  	[sflag:s24] =	ssyncadd.s32 $0xFFFFD800  }
0x2f: {  	_ =	swait.ge [sflag:s25], $0x80  }
0x30: {  	[sflag:s25] =	ssyncset.done $0x0  }
0x31: {  	[sflag:s25] =	ssyncadd.s32 $0xFFFFFF80  }
0x32: {  	[tilespmem:s26], [sflag:$0x6] =	stream.indirect.gather [hbm4b:s3+s22], $0x80, s19, s22, $0xb8;
	[tilespmem:$0x19200] =	vst v63  }
0x33: {  	_ =	swait.ge [sflag:s28], $0x80  }
0x34: {  	[sflag:s28] =	ssyncset.done $0x0  }
0x35: {  	[sflag:s28] =	ssyncadd.s32 $0xFFFFFF80  }
0x36: {  	[spmem:s1] =	stream.indirect.scatter.add.f32 [tilespmem:s23], [sflag:$0x7], $0x80, s18, s22, $0xb8;
	[tilespmem:$0x19200] =	vst v63  }
0x37: {  	_ =	swait.ge [sflag:s29], $0x2800  }
0x38: {  	[sflag:s29] =	ssyncset.done $0x0  }
0x39: {  	s6 =	sadd.s32 $0x0, s16;
	[sflag:s29] =	ssyncadd.s32 $0xFFFFD800  }
0x3a: {  	[tilespmem:s2], [sflag:$0x1] =	stream.linear.gather [hbm4b:s6+s2], $0x80, $0x38;
	[tilespmem:$0x19200] =	vst v63  }
0x3b: {  	s5 =	sadd.s32 $0x0, s15  }
0x3c: {  	[tilespmem:s18], [sflag:$0x3] =	stream.linear.gather [hbm4b:s5+s2], $0x80, $0x38;
	[tilespmem:$0x19200] =	vst v63  }
0x3d: {  	_ =	swait.ge [sflag:s30], $0x2800  }
0x3e: {  	[sflag:s30] =	ssyncset.done $0x0  }
0x3f: {  	[sflag:s30] =	ssyncadd.s32 $0xFFFFD800  }
0x40: {  	_ =	swait.ge [sflag:s21], $0x80  }
0x41: {  	[sflag:s21] =	ssyncset.done $0x0  }
0x42: {  	[sflag:s21] =	ssyncadd.s32 $0xFFFFFF80  }
0x43: {  	[tilespmem:s23], [sflag:$0x5] =	stream.indirect.gather [hbm4b:s3+s22], $0x80, s2, s22, $0xb8;
	[tilespmem:$0x19200] =	vst v63  }
0x44: {  	_ =	swait.ge [sflag:s31], $0x80  }
0x45: {  	[sflag:s31] =	ssyncset.done $0x0  }
0x46: {  	[sflag:s31] =	ssyncadd.s32 $0xFFFFFF80  }
0x47: {  	[spmem:s1] =	stream.indirect.scatter.add.f32 [tilespmem:s26], [sflag:$0x7], $0x80, s20, s22, $0xb8;
	[tilespmem:$0x19200] =	vst v63  }
0x48: {  	_ =	swait.ge [sflag:s29], $0x2800  }
0x49: {  	s4 =	simm.s32 $0x20;
	[sflag:s29] =	ssyncset.done $0x0  }
0x4a: {  	s6 =	sadd.s32 $0x0, s14;
	s5 =	sadd.s32 $0x0, s13;
	[sflag:s29] =	ssyncadd.s32 $0xFFFFD800  }
0x4b: {  	[tilespmem:s19], [sflag:$0x2] =	stream.linear.gather [hbm4b:s6+s2], $0x80, $0x38;
	[tilespmem:$0x19200] =	vst v63  }
.LBB2_2:
0x4c: {  	[tilespmem:s20], [sflag:$0x4] =	stream.linear.gather [hbm4b:s5+s2], $0x80, $0x38;
	[tilespmem:$0x19200] =	vst v63  }
0x4d: {  	s5 =	smov.u32 s4  }
0x4e: {  	p1 =	sne.s32 s4, $0x780;
	s4 =	sadd.s32 $0x20, s4;
	_ =	swait.ge [sflag:s24], $0x2800  }
0x4f: {  	[sflag:s24] =	ssyncset.done $0x0  }
0x50: {  	[sflag:s24] =	ssyncadd.s32 $0xFFFFD800  }
0x51: {  	_ =	swait.ge [sflag:s25], $0x80  }
0x52: {  	[sflag:s25] =	ssyncset.done $0x0  }
0x53: {  	[sflag:s25] =	ssyncadd.s32 $0xFFFFFF80  }
0x54: {  	[tilespmem:s26], [sflag:$0x6] =	stream.indirect.gather [hbm4b:s3+s22], $0x80, s19, s22, $0xb8;
	[tilespmem:$0x19200] =	vst v63  }
0x55: {  	_ =	swait.ge [sflag:s28], $0x80  }
0x56: {  	[sflag:s28] =	ssyncset.done $0x0  }
0x57: {  	[sflag:s28] =	ssyncadd.s32 $0xFFFFFF80  }
0x58: {  	[spmem:s1] =	stream.indirect.scatter.add.f32 [tilespmem:s23], [sflag:$0x7], $0x80, s18, s22, $0xb8;
	[tilespmem:$0x19200] =	vst v63  }
0x59: {  	_ =	swait.ge [sflag:s29], $0x2800  }
0x5a: {  	[sflag:s29] =	ssyncset.done $0x0  }
0x5b: {  	s6 =	sadd.s32 s5, s16;
	[sflag:s29] =	ssyncadd.s32 $0xFFFFD800  }
0x5c: {  	[tilespmem:s2], [sflag:$0x1] =	stream.linear.gather [hbm4b:s6+s2], $0x80, $0x38;
	[tilespmem:$0x19200] =	vst v63  }
0x5d: {  	s6 =	sadd.s32 s5, s15  }
0x5e: {  	[tilespmem:s18], [sflag:$0x3] =	stream.linear.gather [hbm4b:s6+s2], $0x80, $0x38;
	[tilespmem:$0x19200] =	vst v63  }
0x5f: {  	_ =	swait.ge [sflag:s30], $0x2800  }
0x60: {  	[sflag:s30] =	ssyncset.done $0x0  }
0x61: {  	[sflag:s30] =	ssyncadd.s32 $0xFFFFD800  }
0x62: {  	_ =	swait.ge [sflag:s21], $0x80  }
0x63: {  	[sflag:s21] =	ssyncset.done $0x0  }
0x64: {  	[sflag:s21] =	ssyncadd.s32 $0xFFFFFF80  }
0x65: {  	[tilespmem:s23], [sflag:$0x5] =	stream.indirect.gather [hbm4b:s3+s22], $0x80, s2, s22, $0xb8;
	[tilespmem:$0x19200] =	vst v63  }
0x66: {  	_ =	swait.ge [sflag:s31], $0x80  }
0x67: {  	[sflag:s31] =	ssyncset.done $0x0  }
0x68: {  	[sflag:s31] =	ssyncadd.s32 $0xFFFFFF80  }
0x69: {  	[spmem:s1] =	stream.indirect.scatter.add.f32 [tilespmem:s26], [sflag:$0x7], $0x80, s20, s22, $0xb8;
	[tilespmem:$0x19200] =	vst v63  }
.Ltmp0:
0x6a: {  	_ =	swait.ge [sflag:s29], $0x2800;
	(pc) =	sbr.rel @p1 .LBB2_2-.Ltmp0, $4  }
0x6b: {  	[sflag:s29] =	ssyncset.done $0x0  }
0x6c: {  	s6 =	sadd.s32 s5, s14;
	[sflag:s29] =	ssyncadd.s32 $0xFFFFD800  }
0x6d: {  	[tilespmem:s19], [sflag:$0x2] =	stream.linear.gather [hbm4b:s6+s2], $0x80, $0x38;
	[tilespmem:$0x19200] =	vst v63  }
0x6e: {  	s5 =	sadd.s32 s5, s13  }
0x6f: {  	[tilespmem:s20], [sflag:$0x4] =	stream.linear.gather [hbm4b:s5+s2], $0x80, $0x38;
	[tilespmem:$0x19200] =	vst v63  }
0x70: {  	_ =	swait.ge [sflag:s24], $0x2800  }
0x71: {  	[sflag:s24] =	ssyncset.done $0x0  }
0x72: {  	[sflag:s24] =	ssyncadd.s32 $0xFFFFD800  }
0x73: {  	_ =	swait.ge [sflag:s25], $0x80  }
0x74: {  	[sflag:s25] =	ssyncset.done $0x0  }
0x75: {  	[sflag:s25] =	ssyncadd.s32 $0xFFFFFF80  }
0x76: {  	[tilespmem:s26], [sflag:$0x6] =	stream.indirect.gather [hbm4b:s3+s22], $0x80, s19, s22, $0xb8;
	[tilespmem:$0x19200] =	vst v63  }
0x77: {  	_ =	swait.ge [sflag:s28], $0x80  }
0x78: {  	[sflag:s28] =	ssyncset.done $0x0  }
0x79: {  	[sflag:s28] =	ssyncadd.s32 $0xFFFFFF80  }
0x7a: {  	[spmem:s1] =	stream.indirect.scatter.add.f32 [tilespmem:s23], [sflag:$0x7], $0x80, s18, s22, $0xb8;
	[tilespmem:$0x19200] =	vst v63  }
0x7b: {  	_ =	swait.ge [sflag:s29], $0x2800  }
0x7c: {  	[sflag:s29] =	ssyncset.done $0x0  }
0x7d: {  	[sflag:s29] =	ssyncadd.s32 $0xFFFFD800  }
0x7e: {  	[tilespmem:s2], [sflag:$0x1] =	stream.linear.gather [hbm4b:s11+s2], $0x80, $0x38;
	[tilespmem:$0x19200] =	vst v63  }
0x7f: {  	_ = 	snop  }
0x80: {  	[tilespmem:s18], [sflag:$0x3] =	stream.linear.gather [hbm4b:s12+s2], $0x80, $0x38;
	[tilespmem:$0x19200] =	vst v63  }
0x81: {  	_ =	swait.ge [sflag:s30], $0x2800  }
0x82: {  	[sflag:s30] =	ssyncset.done $0x0  }
0x83: {  	[sflag:s30] =	ssyncadd.s32 $0xFFFFD800  }
0x84: {  	_ =	swait.ge [sflag:s21], $0x80  }
0x85: {  	[sflag:s21] =	ssyncset.done $0x0  }
0x86: {  	[sflag:s21] =	ssyncadd.s32 $0xFFFFFF80  }
0x87: {  	[tilespmem:s23], [sflag:$0x5] =	stream.indirect.gather [hbm4b:s3+s22], $0x80, s2, s22, $0xb8;
	[tilespmem:$0x19200] =	vst v63  }
0x88: {  	_ =	swait.ge [sflag:s31], $0x80  }
0x89: {  	[sflag:s31] =	ssyncset.done $0x0  }
0x8a: {  	[sflag:s31] =	ssyncadd.s32 $0xFFFFFF80  }
0x8b: {  	[spmem:s1] =	stream.indirect.scatter.add.f32 [tilespmem:s26], [sflag:$0x7], $0x80, s20, s22, $0xb8;
	[tilespmem:$0x19200] =	vst v63  }
0x8c: {  	_ =	swait.ge [sflag:s29], $0x2800  }
0x8d: {  	[sflag:s29] =	ssyncset.done $0x0  }
0x8e: {  	[sflag:s29] =	ssyncadd.s32 $0xFFFFD800  }
0x8f: {  	_ =	swait.ge [sflag:s24], $0x2800  }
0x90: {  	[sflag:s24] =	ssyncset.done $0x0  }
0x91: {  	[sflag:s24] =	ssyncadd.s32 $0xFFFFD800  }
0x92: {  	_ =	swait.ge [sflag:s28], $0x80  }
0x93: {  	[sflag:s28] =	ssyncset.done $0x0  }
0x94: {  	[sflag:s28] =	ssyncadd.s32 $0xFFFFFF80  }
0x95: {  	[spmem:s1] =	stream.indirect.scatter.add.f32 [tilespmem:s23], [sflag:$0x7], $0x80, s18, s22, $0xb8;
	[tilespmem:$0x19200] =	vst v63  }
0x96: {  	_ =	swait.ge [sflag:s29], $0x2800  }
0x97: {  	[sflag:s29] =	ssyncset.done $0x0  }
0x98: {  	s0 =	sadd.s32 $0x1, s0;
	[sflag:s29] =	ssyncadd.s32 $0xFFFFD800  }
0x99: {  	s4 =	simm.s32 @!p0 $0x1C07;
	p1 =	sne.s32 s0, s10;
	[bflag:$0x0] =	sbarrier.arrive $0xFFFF  }
0x9a: {  	[hbm:s9], [sflag:s4] =	dma.local @!p0 [spmem:s17], $0x28000  }
.Ltmp1:
0x9b: {  	_ = 	snop;
	(pc) =	sbr.rel @p1 .LBB2_1-.Ltmp1, $4  }
0x9c: {  	s4 =	simm.s32 @!p0 $0x7  }
0x9d: {  	_ =	swait.ge @!p0 [sflag:s4], $0x28000  }
0x9e: {  	[sflag:s4] =	ssyncset.done @!p0 $0x0  }
0x9f: {  	[sflag:s4] =	ssyncadd.s32 @!p0 $0xFFFD8000  }
0xa0: {  	_ =	sfence.sel $0x180000  }
0xa1: {  	[bflag:$0x0] =	sbarrier.arrive $0xFFFF  }
0xa2: {  	_ =	strace $0x9000004A  }
0xa3: {  	[bflag:$0x2] =	sbarrier.arrive $0xFFFF  }
0xa4: {  	s0 =	rddreg [dreg:$0x2]  }
0xa5: {  	s0 =	sadd.s32 @!p0 $0x100000, s0  }
0xa6: {  	[sflag:s0] =	ssyncadd.tile.s32 @!p0 $0x1;
	_ =	shalt  }
.Lfunc_end2:
_tile_overlayer_lowered:
.L_overlay_start_2:
0xa7: {  	(tag) =	ssettag $0x2  }
0xa8: {  	s0 =	rddreg [dreg:$0x0];
	s2 =	stileid.u32  }
0xa9: {  	s1 =	rddreg [dreg:$0x1];
	p0 =	sne.s32 s2, $0x0  }
0xaa: {  	s3 =	rddreg [dreg:$0x2];
	[bflag:$0x3] =	sbarrier.arrive $0xFFFF;
	s2 =	simm.s32 @!p0 $0x1C07  }
0xab: {  	[timem:s3], [sflag:s2] =	dma.local @!p0 [hbm:s0], s1  }
0xac: {  	s0 =	simm.s32 @!p0 $0x7  }
0xad: {  	_ =	swait.ge @!p0 [sflag:s0], s1  }
0xae: {  	s1 =	ssub.s32 @!p0 $0x0, s1;
	[sflag:s0] =	ssyncset.done @!p0 $0x0  }
0xaf: {  	[sflag:s0] =	ssyncadd.s32 @!p0 s1  }
0xb0: {  	[bflag:$0x3] =	sbarrier.arrive $0xFFFF  }
0xb1: {  	_ =	shalt  }

// kernel: kernel.14.cloned.1.call-start
scs
__scs_entry_jumppad:
0x0: {  	(pc) =	sbr.rel $0x88, $3  }
0x1: {  	(tag) =	ssettag $0x0;
	lr =	simm.s32 $0x1  }
0x2: {  	[smem:$0x3F95] =	sst lr;
	_ =	strace $0xD0000000  }
0x3: {  	_ = 	snop  }
0x4: {  	_ = 	snop  }
0x5: {  	_ = 	snop  }
0x6: {  	_ = 	snop  }
0x7: {  	_ = 	snop  }
__scs_overlays_trampoline_lowered:
0x8: {  	[smem:$0x3FA4] =	sst s0  }
0x9: {  	[smem:$0x3FA5] =	sst s1  }
0xa: {  	[smem:$0x3FA6] =	sst s2  }
0xb: {  	[smem:$0x3FA7] =	sst s3  }
0xc: {  	[smem:$0x3FA8] =	sst s4  }
0xd: {  	[smem:$0x3FA9] =	sst s5  }
0xe: {  	[smem:$0x3FAA] =	sst s6  }
0xf: {  	[smem:$0x3FAB] =	sst s7  }
0x10: {  	[smem:$0x3FAC] =	sst s8  }
0x11: {  	[smem:$0x3FAD] =	sst s9;
	s0 =	simm.s32 @!p0 $0x0  }
0x12: {  	s1 =	sld [smem:$0x3F93];
	s0 =	simm.s32 @p0 $0x1  }
0x13: {  	[smem:$0x3FAE] =	sst s0;
	s0 =	simm.s32 @!p1 $0x0  }
0x14: {  	s2 =	sld [smem:$0x3F92];
	s0 =	simm.s32 @p1 $0x1  }
0x15: {  	[smem:$0x3FAF] =	sst s0;
	s0 =	simm.s32 @!p2 $0x0  }
0x16: {  	s3 =	sld [smem:$0x3FDB];
	s0 =	simm.s32 @p2 $0x1  }
0x17: {  	s4 =	simm.s32 $0x1BF5;
	[smem:$0x3FB1] =	sst s0  }
0x18: {  	s0 =	sld [smem:$0x3F94];
	_ =	swait.ge [sflag:s4], $0x0  }
0x19: {  	s7 =	sld [smem:$0x3F95]  }
0x1a: {  	s8 =	sadd.s32 $0xFFFFE003, lr  }
0x1b: {  	s9 =	sadd.s32 $0xFFFFFEF7, lr;
	s5 =	simm.s32 $0xFFFFFFFF;
	p2 =	slt.u32 s8, $0xFFFFF086  }
0x1c: {  	p1 =	slt.u32 s9, $0xF7A;
	s5 =	simm.s32 @!p2 $0x0  }
0x1d: {  	s5 =	simm.s32 @p1 $0x1;
	p0 =	seq.s32 s7, s2  }
0x1e: {  	s7 =	smul.u32 @!p0 $0xF7A, s2;
	p2 =	seq.s32 @!p0 s5, $0x0  }
0x1f: {  	s9 =	smul.u32 $0xF7A, s1;
	s8 =	simm.s32 @!p0 $0x1BF5;
	p2 =	por !p2, p0  }
0x20: {  	[sflag:s8] =	ssyncset.s32 @!p0 $0xFFFFF086;
	s6 =	sadd.s32 @!p0 s3, s7;
	s7 =	simm.s32 @!p0 $0x108  }
0x21: {  	s3 =	sadd.s32 s3, s9;
	s6 =	sadd.s32 @!p0 $0x88, s6;
	s7 =	simm.s32 @p2 $0x1082  }
0x22: {  	[simem:s7], [sflag:s8] =	dma.local @!p0 [hbm:s6], $0xF7A  }
0x23: {  	s9 =	sor.u32 $0xD0000000, s2;
	s6 =	simm.s32 $0x108;
	_ =	swait.ge @!p0 [sflag:s8], $0x0  }
0x24: {  	s3 =	sadd.s32 $0x88, s3;
	s6 =	simm.s32 @!p1 $0x1082;
	[sflag:s4] =	ssyncset.s32 $0xFFFFF086  }
0x25: {  	[simem:s6], [sflag:s4] =	dma.local [hbm:s3], $0xF7A  }
0x26: {  	[smem:$0x3F95] =	sst s1;
	(tag) =	ssettag s2;
	_ =	strace s9  }
0x27: {  	s1 =	sld [smem:$0x3FA5]  }
0x28: {  	s2 =	sld [smem:$0x3FA6]  }
0x29: {  	s4 =	sld [smem:$0x3FA8]  }
0x2a: {  	p0 =	seq.s32 s5, $0x0;
	s5 =	sld [smem:$0x3FA9]  }
0x2b: {  	s6 =	sld [smem:$0x3FAA]  }
0x2c: {  	s7 =	sld [smem:$0x3FAB]  }
0x2d: {  	s3 =	simm.s32 $0x108;
	s8 =	sld [smem:$0x3FAC]  }
0x2e: {  	s3 =	simm.s32 @!p0 $0x1082;
	s9 =	sld [smem:$0x3FAD]  }
0x2f: {  	lr =	sadd.s32 s0, s3;
	s0 =	sld [smem:$0x3FA4]  }
0x30: {  	s3 =	sld [smem:$0x3FA7]  }
0x31: {  	[smem:$0x3FB0] =	sst s10  }
0x32: {  	s10 =	sld [smem:$0x3FAE];
	_ =	sdelay $0x3  }
0x33: {  	p0 =	seq.s32 s10, $0x1;
	s10 =	sld [smem:$0x3FB0];
	_ =	sdelay $0x3  }
0x34: {  	[smem:$0x3FB0] =	sst s10  }
0x35: {  	s10 =	sld [smem:$0x3FAF];
	_ =	sdelay $0x3  }
0x36: {  	p1 =	seq.s32 s10, $0x1;
	s10 =	sld [smem:$0x3FB0];
	_ =	sdelay $0x3  }
0x37: {  	[smem:$0x3FB0] =	sst s10  }
0x38: {  	s10 =	sld [smem:$0x3FB1]  }
0x39: {  	_ = 	snop;
	(pc) =	sbr.ind lr, $3  }
0x3a: {  	_ = 	snop  }
0x3b: {  	_ = 	snop  }
0x3c: {  	p2 =	seq.s32 s10, $0x1;
	s10 =	sld [smem:$0x3FB0]  }
0x3d: {  	_ =	shalt  }
0x3e: {  	_ =	shalt  }
0x3f: {  	_ =	shalt  }
0x40: {  	_ =	shalt  }
0x41: {  	_ =	shalt  }
0x42: {  	_ =	shalt  }
0x43: {  	_ =	shalt  }
0x44: {  	_ =	shalt  }
0x45: {  	_ =	shalt  }
0x46: {  	_ =	shalt  }
0x47: {  	_ =	shalt  }
0x48: {  	_ =	shalt  }
0x49: {  	_ =	shalt  }
0x4a: {  	_ =	shalt  }
0x4b: {  	_ =	shalt  }
0x4c: {  	_ =	shalt  }
0x4d: {  	_ =	shalt  }
0x4e: {  	_ =	shalt  }
0x4f: {  	_ =	shalt  }
0x50: {  	_ =	shalt  }
0x51: {  	_ =	shalt  }
0x52: {  	_ =	shalt  }
0x53: {  	_ =	shalt  }
0x54: {  	_ =	shalt  }
0x55: {  	_ =	shalt  }
0x56: {  	_ =	shalt  }
0x57: {  	_ =	shalt  }
0x58: {  	_ =	shalt  }
0x59: {  	_ =	shalt  }
0x5a: {  	_ =	shalt  }
0x5b: {  	_ =	shalt  }
0x5c: {  	_ =	shalt  }
0x5d: {  	_ =	shalt  }
0x5e: {  	_ =	shalt  }
0x5f: {  	_ =	shalt  }
0x60: {  	_ =	shalt  }
0x61: {  	_ =	shalt  }
0x62: {  	_ =	shalt  }
0x63: {  	_ =	shalt  }
0x64: {  	_ =	shalt  }
0x65: {  	_ =	shalt  }
0x66: {  	_ =	shalt  }
0x67: {  	_ =	shalt  }
0x68: {  	_ =	shalt  }
0x69: {  	_ =	shalt  }
0x6a: {  	_ =	shalt  }
0x6b: {  	_ =	shalt  }
0x6c: {  	_ =	shalt  }
0x6d: {  	_ =	shalt  }
0x6e: {  	_ =	shalt  }
0x6f: {  	_ =	shalt  }
0x70: {  	_ =	shalt  }
0x71: {  	_ =	shalt  }
0x72: {  	_ =	shalt  }
0x73: {  	_ =	shalt  }
0x74: {  	_ =	shalt  }
0x75: {  	_ =	shalt  }
0x76: {  	_ =	shalt  }
0x77: {  	_ =	shalt  }
0x78: {  	_ =	shalt  }
0x79: {  	_ =	shalt  }
0x7a: {  	_ =	shalt  }
0x7b: {  	_ =	shalt  }
0x7c: {  	_ =	shalt  }
0x7d: {  	_ =	shalt  }
0x7e: {  	_ =	shalt  }
0x7f: {  	_ =	shalt  }
0x80: {  	_ =	shalt  }
0x81: {  	_ =	shalt  }
0x82: {  	_ =	shalt  }
0x83: {  	_ =	shalt  }
0x84: {  	_ =	shalt  }
0x85: {  	_ =	shalt  }
0x86: {  	_ =	shalt  }
0x87: {  	_ =	shalt  }
.Lfunc_end0:
.L_simem_size_0:
called_computation.2_lowered:
.L_overlay_start_0:
0x88: {  	s2 =	sld [smem:$0x3FD9]  }
0x89: {  	s3 =	sld [smem:$0x3FFE];
	_ =	sdelay $0x1  }
0x8a: {  	s1 =	srdreg.scid  }
0x8b: {  	s0 =	sand.u32 $0x1, s1  }
0x8c: {  	s16 =	sshll.u32 s0, $0xA;
	s2 =	sadd.s32 s3, s2  }
0x8d: {  	s2 =	sadd.s32 s2, s16  }
0x8e: {  	[smem:$0x3FBC] =	sst s2  }
0x8f: {  	_ = 	snop  }
0x90: {  	(tm) =	ssettm $0x1  }
0x91: {  	s17 =	sld [smem:$0x3FFB];
	_ =	sdelay $0x3  }
0x92: {  	_ =	strace s17  }
0x93: {  	s2 =	sld [smem:$0x3FFC];
	_ =	sdelay $0x3  }
0x94: {  	_ =	strace s2  }
0x95: {  	s2 =	sld [smem:$0x3FFD];
	_ =	sdelay $0x3  }
0x96: {  	_ =	strace s2  }
0x97: {  	_ =	strace $0x8FFFFFFF  }
0x98: {  	s18 =	sld [smem:$0x3FDB];
	_ =	sdelay $0x1  }
0x99: {  	s19 =	simm.s32 $_scs_section_size  }
0x9a: {  	s4 =	simm.s32 $_size__tile_overlayer_lowered;
	s5 =	simm.s32 $_tile_overlayer_lowered  }
0x9b: {  	s22 =	simm.s32 $0x1BFF;
	s21 =	sshll.u32 s5, $0x1;
	s2 =	sadd.s32 s19, s18  }
0x9c: {  	s6 =	simm.s32 $0x0;
	s20 =	sshll.u32 s4, $0x1;
	s4 =	sadd.s32 s21, s2  }
0x9d: {  	[timem:s6], [sflag:s22] =	dma.local [hbm:s4], s20  }
0x9e: {  	_ =	swait.ge [sflag:s22], s20  }
0x9f: {  	s3 =	ssub.s32 $0x0, s20;
	[sflag:s22] =	ssyncset.done $0x0  }
0xa0: {  	[sflag:s22] =	ssyncadd.s32 s3;
	_ =	sdelay $0x1  }
0xa1: {  	s23 =	simm.s32 $0x1B8B  }
0xa2: {  	_ =	swait.ge [sflag:s23], $0x1  }
0xa3: {  	[sflag:s23] =	ssyncset.done $0x0  }
0xa4: {  	s25 =	simm.s32 $0x1B8E;
	s24 =	sld [smem:$0x3FFE];
	[sflag:s23] =	ssyncadd.s32 $0xFFFFFFFF  }
0xa5: {  	s26 =	simm.s32 $execute0_lowered;
	[smem:$0x3FD2] =	sst s25  }
0xa6: {  	s4 =	sshll.u32 s26, $0x1;
	_ =	strace $0x8000004C;
	[dreg:$0x1] =	wrdreg $0xFFFFFFFF  }
0xa7: {  	s28 =	simm.s32 $_size_execute0_lowered;
	s2 =	sadd.s32 s2, s4;
	[dreg:$0x0] =	wrdreg $0x0  }
0xa8: {  	s4 =	sshll.u32 s28, $0x1;
	[dreg:$0x2] =	wrdreg s2  }
0xa9: {  	[dreg:$0x3] =	wrdreg s4  }
0xaa: {  	[dreg:$0x4] =	wrdreg $0xC0  }
0xab: {  	_ =	task [dreg:s6], $0x5FFFF  }
0xac: {  	[dreg:$0x1] =	wrdreg $0xFFFFFFFF  }
0xad: {  	[dreg:$0x0] =	wrdreg $0x60  }
0xae: {  	[dreg:$0x2] =	wrdreg s24  }
0xaf: {  	[dreg:$0x3] =	wrdreg $0x52000  }
0xb0: {  	[dreg:$0x4] =	wrdreg $0x9  }
0xb1: {  	_ =	task.clear_ibuf [dreg:s6], $0x5FFFF;
	_ =	strace $0x9000004C  }
0xb2: {  	s29 =	simm.s32 $0x9;
	_ =	strace $0x8000004E  }
0xb3: {  	_ =	swait.ge [sflag:s29], $0x1  }
0xb4: {  	[sflag:s29] =	ssyncadd.s32 $0xFFFFFFFF  }
0xb5: {  	_ =	strace $0x9000004E  }
0xb6: {  	_ =	sfence  }
0xb7: {  	s30 =	sld [smem:$0x0];
	_ =	sdelay $0x2  }
0xb8: {  	s31 =	sshll.u32 s1, $0xD;
	s1 =	sshrl.u32 s1, $0x2  }
0xb9: {  	s3 =	sand.u32 $0x4000, s31;
	s1 =	sadd.s32 s1, s30  }
0xba: {  	s0 =	sor.u32 s3, s0;
	s1 =	sshll.u32 s1, $0x11  }
0xbb: {  	s0 =	sor.u32 s1, s0  }
0xbc: {  	s0 =	sadd.s32 $0x8F2B, s0  }
0xbd: {  	[sflag:s0] =	ssyncadd.remote.s32 $0x1  }
0xbe: {  	_ =	sfence.sel $0xFFFF  }
0xbf: {  	[dreg:$0x0] =	wrdreg $0xFFFFFFFF;
	(pc) =	sbr.abs _section_cstart, $3  }
0xc0: {  	[dreg:$0x1] =	wrdreg $0xFFFFFFFF  }
0xc1: {  	_ =	task.clear_ibuf [dreg:s6], $0x2FFFF;
	_ =	strace $0x9FFFFFFF  }
0xc2: {  	(tm) =	ssettm $0x7FFFFFFF  }
0xc3: {  	_ =	shalt  }
tec
execute0_lowered:
.L_overlay_start_1:
0x0: {  	(tag) =	ssettag $0x1  }
0x1: {  	s0 =	rddreg [dreg:$0x0]  }
0x2: {  	s1 =	rddreg [dreg:$0x1]  }
0x3: {  	s2 =	srdreg.scid;
	s5 =	stileid.u32  }
0x4: {  	s28 =	simm.s32 $0x3;
	s29 =	simm.s32 $0x7;
	s30 =	simm.s32 $0x6  }
0x5: {  	s31 =	simm.s32 $0x4;
	s4 =	sand.u32 $0x1, s2;
	s2 =	simm.s32 $0x0  }
0x6: {  	s15 =	sadd.s32 $0x22A00, s0;
	s16 =	sadd.s32 $0x13000, s0;
	s10 =	sadd.s32 $0xA9600, s0  }
0x7: {  	s21 =	smul.u32 $0x7D, s5;
	p0 =	sne.s32 s5, $0x0;
	s3 =	sshll.u32 s4, $0x4  }
0x8: {  	[smem:$0x7FF] =	sst s2;
	s6 =	smul.u32 $0x28000, s4;
	s18 =	ssub.s32 $0x2, s4  }
0x9: {  	s4 =	smul.u32 $0x7D0, s4;
	s17 =	sshrl.u32 @!p0 s1, $0x3;
	s8 =	sor.u32 s5, s3  }
0xa: {  	_ =	strace $0x8000004D;
	s3 =	sadd.s32 $0x82400, s0;
	s7 =	smul.u32 $0x3E80, s8  }
0xb: {  	[dreg:$0x3] =	wrdreg s10;
	s19 =	sshrl.u32 s18, $0x1;
	s9 =	smul.u32 $0x280, s8  }
0xc: {  	s0 =	sadd.s32 s6, s0;
	s10 =	ssub.s32 s18, s19;
	s12 =	smul.u32 $0x7D0, s8  }
0xd: {  	s4 =	sadd.s32 s21, s4;
	s18 =	simm.s32 $0x100;
	s19 =	simm.s32 $0x80  }
0xe: {  	s21 =	simm.s32 $0x1;
	s24 =	sshll.u32 s4, $0x4;
	s10 =	smax.u32 s10, $0x1  }
0xf: {  	s11 =	sand.u32 $0x7FC00, s7;
	s9 =	sand.u32 $0x380, s9;
	s7 =	sshrl.u32 s7, $0x3  }
0x10: {  	s25 =	sadd.s32 $0x7C0, s12;
	s14 =	sadd.s32 $0x30, s24;
	s26 =	sadd.s32 s24, s16  }
0x11: {  	s20 =	sor.u32 s9, s11;
	s23 =	sadd.s32 $0x10, s7;
	s9 =	sadd.s32 $0xD1600, s0  }
0x12: {  	s11 =	sadd.s32 s15, s25;
	s12 =	sadd.s32 s16, s25;
	s13 =	sadd.s32 s14, s16  }
0x13: {  	s14 =	sadd.s32 s14, s15;
	s0 =	sadd.s32 s24, s15;
	s24 =	simm.s32 $0x5  }
0x14: {  	s25 =	simm.s32 $0x2;
	s6 =	sshrl.u32 s20, $0x3;
	s7 =	sadd.s32 s15, s23  }
0x15: {  	s8 =	sadd.s32 s16, s23;
	s20 =	simm.s32 $0x180;
	s23 =	simm.s32 $0x200  }
0x16: {  	s22 =	sadd.s32 s15, s6;
	s6 =	sadd.s32 s16, s6;
	s15 =	sadd.s32 $0x20, s26  }
0x17: {  	s16 =	sadd.s32 $0x20, s0;
	s26 =	simm.s32 $0x2A00;
	[dreg:$0x4] =	wrdreg s22  }
0x18: {  	s0 =	simm.s32 $0x0;
	[dreg:$0x5] =	wrdreg s6;
	s22 =	simm.s32 $0x50  }
.LBB2_1:
0x19: {  	s4 =	simm.s32 @!p0 $0x1C07;
	s5 =	rddreg [dreg:$0x3]  }
0x1a: {  	[spmem:s17], [sflag:s4] =	dma.local @!p0 [hbm:s5], $0x28000  }
0x1b: {  	s4 =	simm.s32 @!p0 $0x7  }
0x1c: {  	_ =	swait.ge @!p0 [sflag:s4], $0x28000  }
0x1d: {  	[sflag:s4] =	ssyncset.done @!p0 $0x0  }
0x1e: {  	[sflag:s4] =	ssyncadd.s32 @!p0 $0xFFFD8000  }
0x1f: {  	[bflag:$0x0] =	sbarrier.arrive $0xFFFF  }
0x20: {  	s6 =	rddreg [dreg:$0x4]  }
0x21: {  	[tilespmem:s2], [sflag:$0x1] =	stream.linear.gather [hbm4b:s6+s2], $0x80, $0x38;
	[tilespmem:$0x19200] =	vst v63  }
0x22: {  	s5 =	rddreg [dreg:$0x5]  }
0x23: {  	[tilespmem:s18], [sflag:$0x3] =	stream.linear.gather [hbm4b:s5+s2], $0x80, $0x38;
	[tilespmem:$0x19200] =	vst v63  }
0x24: {  	_ = 	snop  }
0x25: {  	[tilespmem:s19], [sflag:$0x2] =	stream.linear.gather [hbm4b:s7+s2], $0x80, $0x38;
	[tilespmem:$0x19200] =	vst v63  }
0x26: {  	_ = 	snop  }
0x27: {  	[tilespmem:s20], [sflag:$0x4] =	stream.linear.gather [hbm4b:s8+s2], $0x80, $0x38;
	[tilespmem:$0x19200] =	vst v63  }
0x28: {  	_ =	swait.ge [sflag:s21], $0x80  }
0x29: {  	[sflag:s21] =	ssyncset.done $0x0  }
0x2a: {  	[sflag:s21] =	ssyncadd.s32 $0xFFFFFF80  }
0x2b: {  	[tilespmem:s23], [sflag:$0x5] =	stream.indirect.gather [hbm4b:s3+s22], $0x80, s2, s22, $0xb8;
	[tilespmem:$0x19200] =	vst v63  }
0x2c: {  	_ =	swait.ge [sflag:s24], $0x2800  }
0x2d: {  	[sflag:s24] =	ssyncset.done $0x0  }
0x2e: {  	[sflag:s24] =	ssyncadd.s32 $0xFFFFD800  }
0x2f: {  	_ =	swait.ge [sflag:s25], $0x80  }
0x30: {  	[sflag:s25] =	ssyncset.done $0x0  }
0x31: {  	[sflag:s25] =	ssyncadd.s32 $0xFFFFFF80  }
0x32: {  	[tilespmem:s26], [sflag:$0x6] =	stream.indirect.gather [hbm4b:s3+s22], $0x80, s19, s22, $0xb8;
	[tilespmem:$0x19200] =	vst v63  }
0x33: {  	_ =	swait.ge [sflag:s28], $0x80  }
0x34: {  	[sflag:s28] =	ssyncset.done $0x0  }
0x35: {  	[sflag:s28] =	ssyncadd.s32 $0xFFFFFF80  }
0x36: {  	[spmem:s1] =	stream.indirect.scatter.add.f32 [tilespmem:s23], [sflag:$0x7], $0x80, s18, s22, $0xb8;
	[tilespmem:$0x19200] =	vst v63  }
0x37: {  	_ =	swait.ge [sflag:s29], $0x2800  }
0x38: {  	[sflag:s29] =	ssyncset.done $0x0  }
0x39: {  	s6 =	sadd.s32 $0x0, s16;
	[sflag:s29] =	ssyncadd.s32 $0xFFFFD800  }
0x3a: {  	[tilespmem:s2], [sflag:$0x1] =	stream.linear.gather [hbm4b:s6+s2], $0x80, $0x38;
	[tilespmem:$0x19200] =	vst v63  }
0x3b: {  	s5 =	sadd.s32 $0x0, s15  }
0x3c: {  	[tilespmem:s18], [sflag:$0x3] =	stream.linear.gather [hbm4b:s5+s2], $0x80, $0x38;
	[tilespmem:$0x19200] =	vst v63  }
0x3d: {  	_ =	swait.ge [sflag:s30], $0x2800  }
0x3e: {  	[sflag:s30] =	ssyncset.done $0x0  }
0x3f: {  	[sflag:s30] =	ssyncadd.s32 $0xFFFFD800  }
0x40: {  	_ =	swait.ge [sflag:s21], $0x80  }
0x41: {  	[sflag:s21] =	ssyncset.done $0x0  }
0x42: {  	[sflag:s21] =	ssyncadd.s32 $0xFFFFFF80  }
0x43: {  	[tilespmem:s23], [sflag:$0x5] =	stream.indirect.gather [hbm4b:s3+s22], $0x80, s2, s22, $0xb8;
	[tilespmem:$0x19200] =	vst v63  }
0x44: {  	_ =	swait.ge [sflag:s31], $0x80  }
0x45: {  	[sflag:s31] =	ssyncset.done $0x0  }
0x46: {  	[sflag:s31] =	ssyncadd.s32 $0xFFFFFF80  }
0x47: {  	[spmem:s1] =	stream.indirect.scatter.add.f32 [tilespmem:s26], [sflag:$0x7], $0x80, s20, s22, $0xb8;
	[tilespmem:$0x19200] =	vst v63  }
0x48: {  	_ =	swait.ge [sflag:s29], $0x2800  }
0x49: {  	s4 =	simm.s32 $0x20;
	[sflag:s29] =	ssyncset.done $0x0  }
0x4a: {  	s6 =	sadd.s32 $0x0, s14;
	s5 =	sadd.s32 $0x0, s13;
	[sflag:s29] =	ssyncadd.s32 $0xFFFFD800  }
0x4b: {  	[tilespmem:s19], [sflag:$0x2] =	stream.linear.gather [hbm4b:s6+s2], $0x80, $0x38;
	[tilespmem:$0x19200] =	vst v63  }
.LBB2_2:
0x4c: {  	[tilespmem:s20], [sflag:$0x4] =	stream.linear.gather [hbm4b:s5+s2], $0x80, $0x38;
	[tilespmem:$0x19200] =	vst v63  }
0x4d: {  	s5 =	smov.u32 s4  }
0x4e: {  	p1 =	sne.s32 s4, $0x780;
	s4 =	sadd.s32 $0x20, s4;
	_ =	swait.ge [sflag:s24], $0x2800  }
0x4f: {  	[sflag:s24] =	ssyncset.done $0x0  }
0x50: {  	[sflag:s24] =	ssyncadd.s32 $0xFFFFD800  }
0x51: {  	_ =	swait.ge [sflag:s25], $0x80  }
0x52: {  	[sflag:s25] =	ssyncset.done $0x0  }
0x53: {  	[sflag:s25] =	ssyncadd.s32 $0xFFFFFF80  }
0x54: {  	[tilespmem:s26], [sflag:$0x6] =	stream.indirect.gather [hbm4b:s3+s22], $0x80, s19, s22, $0xb8;
	[tilespmem:$0x19200] =	vst v63  }
0x55: {  	_ =	swait.ge [sflag:s28], $0x80  }
0x56: {  	[sflag:s28] =	ssyncset.done $0x0  }
0x57: {  	[sflag:s28] =	ssyncadd.s32 $0xFFFFFF80  }
0x58: {  	[spmem:s1] =	stream.indirect.scatter.add.f32 [tilespmem:s23], [sflag:$0x7], $0x80, s18, s22, $0xb8;
	[tilespmem:$0x19200] =	vst v63  }
0x59: {  	_ =	swait.ge [sflag:s29], $0x2800  }
0x5a: {  	[sflag:s29] =	ssyncset.done $0x0  }
0x5b: {  	s6 =	sadd.s32 s5, s16;
	[sflag:s29] =	ssyncadd.s32 $0xFFFFD800  }
0x5c: {  	[tilespmem:s2], [sflag:$0x1] =	stream.linear.gather [hbm4b:s6+s2], $0x80, $0x38;
	[tilespmem:$0x19200] =	vst v63  }
0x5d: {  	s6 =	sadd.s32 s5, s15  }
0x5e: {  	[tilespmem:s18], [sflag:$0x3] =	stream.linear.gather [hbm4b:s6+s2], $0x80, $0x38;
	[tilespmem:$0x19200] =	vst v63  }
0x5f: {  	_ =	swait.ge [sflag:s30], $0x2800  }
0x60: {  	[sflag:s30] =	ssyncset.done $0x0  }
0x61: {  	[sflag:s30] =	ssyncadd.s32 $0xFFFFD800  }
0x62: {  	_ =	swait.ge [sflag:s21], $0x80  }
0x63: {  	[sflag:s21] =	ssyncset.done $0x0  }
0x64: {  	[sflag:s21] =	ssyncadd.s32 $0xFFFFFF80  }
0x65: {  	[tilespmem:s23], [sflag:$0x5] =	stream.indirect.gather [hbm4b:s3+s22], $0x80, s2, s22, $0xb8;
	[tilespmem:$0x19200] =	vst v63  }
0x66: {  	_ =	swait.ge [sflag:s31], $0x80  }
0x67: {  	[sflag:s31] =	ssyncset.done $0x0  }
0x68: {  	[sflag:s31] =	ssyncadd.s32 $0xFFFFFF80  }
0x69: {  	[spmem:s1] =	stream.indirect.scatter.add.f32 [tilespmem:s26], [sflag:$0x7], $0x80, s20, s22, $0xb8;
	[tilespmem:$0x19200] =	vst v63  }
.Ltmp0:
0x6a: {  	_ =	swait.ge [sflag:s29], $0x2800;
	(pc) =	sbr.rel @p1 .LBB2_2-.Ltmp0, $4  }
0x6b: {  	[sflag:s29] =	ssyncset.done $0x0  }
0x6c: {  	s6 =	sadd.s32 s5, s14;
	[sflag:s29] =	ssyncadd.s32 $0xFFFFD800  }
0x6d: {  	[tilespmem:s19], [sflag:$0x2] =	stream.linear.gather [hbm4b:s6+s2], $0x80, $0x38;
	[tilespmem:$0x19200] =	vst v63  }
0x6e: {  	s5 =	sadd.s32 s5, s13  }
0x6f: {  	[tilespmem:s20], [sflag:$0x4] =	stream.linear.gather [hbm4b:s5+s2], $0x80, $0x38;
	[tilespmem:$0x19200] =	vst v63  }
0x70: {  	_ =	swait.ge [sflag:s24], $0x2800  }
0x71: {  	[sflag:s24] =	ssyncset.done $0x0  }
0x72: {  	[sflag:s24] =	ssyncadd.s32 $0xFFFFD800  }
0x73: {  	_ =	swait.ge [sflag:s25], $0x80  }
0x74: {  	[sflag:s25] =	ssyncset.done $0x0  }
0x75: {  	[sflag:s25] =	ssyncadd.s32 $0xFFFFFF80  }
0x76: {  	[tilespmem:s26], [sflag:$0x6] =	stream.indirect.gather [hbm4b:s3+s22], $0x80, s19, s22, $0xb8;
	[tilespmem:$0x19200] =	vst v63  }
0x77: {  	_ =	swait.ge [sflag:s28], $0x80  }
0x78: {  	[sflag:s28] =	ssyncset.done $0x0  }
0x79: {  	[sflag:s28] =	ssyncadd.s32 $0xFFFFFF80  }
0x7a: {  	[spmem:s1] =	stream.indirect.scatter.add.f32 [tilespmem:s23], [sflag:$0x7], $0x80, s18, s22, $0xb8;
	[tilespmem:$0x19200] =	vst v63  }
0x7b: {  	_ =	swait.ge [sflag:s29], $0x2800  }
0x7c: {  	[sflag:s29] =	ssyncset.done $0x0  }
0x7d: {  	[sflag:s29] =	ssyncadd.s32 $0xFFFFD800  }
0x7e: {  	[tilespmem:s2], [sflag:$0x1] =	stream.linear.gather [hbm4b:s11+s2], $0x80, $0x38;
	[tilespmem:$0x19200] =	vst v63  }
0x7f: {  	_ = 	snop  }
0x80: {  	[tilespmem:s18], [sflag:$0x3] =	stream.linear.gather [hbm4b:s12+s2], $0x80, $0x38;
	[tilespmem:$0x19200] =	vst v63  }
0x81: {  	_ =	swait.ge [sflag:s30], $0x2800  }
0x82: {  	[sflag:s30] =	ssyncset.done $0x0  }
0x83: {  	[sflag:s30] =	ssyncadd.s32 $0xFFFFD800  }
0x84: {  	_ =	swait.ge [sflag:s21], $0x80  }
0x85: {  	[sflag:s21] =	ssyncset.done $0x0  }
0x86: {  	[sflag:s21] =	ssyncadd.s32 $0xFFFFFF80  }
0x87: {  	[tilespmem:s23], [sflag:$0x5] =	stream.indirect.gather [hbm4b:s3+s22], $0x80, s2, s22, $0xb8;
	[tilespmem:$0x19200] =	vst v63  }
0x88: {  	_ =	swait.ge [sflag:s31], $0x80  }
0x89: {  	[sflag:s31] =	ssyncset.done $0x0  }
0x8a: {  	[sflag:s31] =	ssyncadd.s32 $0xFFFFFF80  }
0x8b: {  	[spmem:s1] =	stream.indirect.scatter.add.f32 [tilespmem:s26], [sflag:$0x7], $0x80, s20, s22, $0xb8;
	[tilespmem:$0x19200] =	vst v63  }
0x8c: {  	_ =	swait.ge [sflag:s29], $0x2800  }
0x8d: {  	[sflag:s29] =	ssyncset.done $0x0  }
0x8e: {  	[sflag:s29] =	ssyncadd.s32 $0xFFFFD800  }
0x8f: {  	_ =	swait.ge [sflag:s24], $0x2800  }
0x90: {  	[sflag:s24] =	ssyncset.done $0x0  }
0x91: {  	[sflag:s24] =	ssyncadd.s32 $0xFFFFD800  }
0x92: {  	_ =	swait.ge [sflag:s28], $0x80  }
0x93: {  	[sflag:s28] =	ssyncset.done $0x0  }
0x94: {  	[sflag:s28] =	ssyncadd.s32 $0xFFFFFF80  }
0x95: {  	[spmem:s1] =	stream.indirect.scatter.add.f32 [tilespmem:s23], [sflag:$0x7], $0x80, s18, s22, $0xb8;
	[tilespmem:$0x19200] =	vst v63  }
0x96: {  	_ =	swait.ge [sflag:s29], $0x2800  }
0x97: {  	[sflag:s29] =	ssyncset.done $0x0  }
0x98: {  	s0 =	sadd.s32 $0x1, s0;
	[sflag:s29] =	ssyncadd.s32 $0xFFFFD800  }
0x99: {  	s4 =	simm.s32 @!p0 $0x1C07;
	p1 =	sne.s32 s0, s10;
	[bflag:$0x0] =	sbarrier.arrive $0xFFFF  }
0x9a: {  	[hbm:s9], [sflag:s4] =	dma.local @!p0 [spmem:s17], $0x28000  }
.Ltmp1:
0x9b: {  	_ = 	snop;
	(pc) =	sbr.rel @p1 .LBB2_1-.Ltmp1, $4  }
0x9c: {  	s4 =	simm.s32 @!p0 $0x7  }
0x9d: {  	_ =	swait.ge @!p0 [sflag:s4], $0x28000  }
0x9e: {  	[sflag:s4] =	ssyncset.done @!p0 $0x0  }
0x9f: {  	[sflag:s4] =	ssyncadd.s32 @!p0 $0xFFFD8000  }
0xa0: {  	_ =	sfence.sel $0x180000  }
0xa1: {  	[bflag:$0x0] =	sbarrier.arrive $0xFFFF  }
0xa2: {  	_ =	strace $0x9000004D  }
0xa3: {  	[bflag:$0x2] =	sbarrier.arrive $0xFFFF  }
0xa4: {  	s0 =	rddreg [dreg:$0x2]  }
0xa5: {  	s0 =	sadd.s32 @!p0 $0x100000, s0  }
0xa6: {  	[sflag:s0] =	ssyncadd.tile.s32 @!p0 $0x1;
	_ =	shalt  }
.Lfunc_end2:
_tile_overlayer_lowered:
.L_overlay_start_2:
0xa7: {  	(tag) =	ssettag $0x2  }
0xa8: {  	s0 =	rddreg [dreg:$0x0];
	s2 =	stileid.u32  }
0xa9: {  	s1 =	rddreg [dreg:$0x1];
	p0 =	sne.s32 s2, $0x0  }
0xaa: {  	s3 =	rddreg [dreg:$0x2];
	[bflag:$0x3] =	sbarrier.arrive $0xFFFF;
	s2 =	simm.s32 @!p0 $0x1C07  }
0xab: {  	[timem:s3], [sflag:s2] =	dma.local @!p0 [hbm:s0], s1  }
0xac: {  	s0 =	simm.s32 @!p0 $0x7  }
0xad: {  	_ =	swait.ge @!p0 [sflag:s0], s1  }
0xae: {  	s1 =	ssub.s32 @!p0 $0x0, s1;
	[sflag:s0] =	ssyncset.done @!p0 $0x0  }
0xaf: {  	[sflag:s0] =	ssyncadd.s32 @!p0 s1  }
0xb0: {  	[bflag:$0x3] =	sbarrier.arrive $0xFFFF  }
0xb1: {  	_ =	shalt  }

// kernel: kernel.8.cloned.1.call-start
scs
__scs_entry_jumppad:
0x0: {  	(pc) =	sbr.rel $0x88, $3  }
0x1: {  	(tag) =	ssettag $0x0;
	lr =	simm.s32 $0x1  }
0x2: {  	[smem:$0x3F95] =	sst lr;
	_ =	strace $0xD0000000  }
0x3: {  	_ = 	snop  }
0x4: {  	_ = 	snop  }
0x5: {  	_ = 	snop  }
0x6: {  	_ = 	snop  }
0x7: {  	_ = 	snop  }
__scs_overlays_trampoline_lowered:
0x8: {  	[smem:$0x3FA4] =	sst s0  }
0x9: {  	[smem:$0x3FA5] =	sst s1  }
0xa: {  	[smem:$0x3FA6] =	sst s2  }
0xb: {  	[smem:$0x3FA7] =	sst s3  }
0xc: {  	[smem:$0x3FA8] =	sst s4  }
0xd: {  	[smem:$0x3FA9] =	sst s5  }
0xe: {  	[smem:$0x3FAA] =	sst s6  }
0xf: {  	[smem:$0x3FAB] =	sst s7  }
0x10: {  	[smem:$0x3FAC] =	sst s8  }
0x11: {  	[smem:$0x3FAD] =	sst s9;
	s0 =	simm.s32 @!p0 $0x0  }
0x12: {  	s1 =	sld [smem:$0x3F93];
	s0 =	simm.s32 @p0 $0x1  }
0x13: {  	[smem:$0x3FAE] =	sst s0;
	s0 =	simm.s32 @!p1 $0x0  }
0x14: {  	s2 =	sld [smem:$0x3F92];
	s0 =	simm.s32 @p1 $0x1  }
0x15: {  	[smem:$0x3FAF] =	sst s0;
	s0 =	simm.s32 @!p2 $0x0  }
0x16: {  	s3 =	sld [smem:$0x3FDB];
	s0 =	simm.s32 @p2 $0x1  }
0x17: {  	s4 =	simm.s32 $0x1BF5;
	[smem:$0x3FB1] =	sst s0  }
0x18: {  	s0 =	sld [smem:$0x3F94];
	_ =	swait.ge [sflag:s4], $0x0  }
0x19: {  	s7 =	sld [smem:$0x3F95]  }
0x1a: {  	s8 =	sadd.s32 $0xFFFFE003, lr  }
0x1b: {  	s9 =	sadd.s32 $0xFFFFFEF7, lr;
	s5 =	simm.s32 $0xFFFFFFFF;
	p2 =	slt.u32 s8, $0xFFFFF086  }
0x1c: {  	p1 =	slt.u32 s9, $0xF7A;
	s5 =	simm.s32 @!p2 $0x0  }
0x1d: {  	s5 =	simm.s32 @p1 $0x1;
	p0 =	seq.s32 s7, s2  }
0x1e: {  	s7 =	smul.u32 @!p0 $0xF7A, s2;
	p2 =	seq.s32 @!p0 s5, $0x0  }
0x1f: {  	s9 =	smul.u32 $0xF7A, s1;
	s8 =	simm.s32 @!p0 $0x1BF5;
	p2 =	por !p2, p0  }
0x20: {  	[sflag:s8] =	ssyncset.s32 @!p0 $0xFFFFF086;
	s6 =	sadd.s32 @!p0 s3, s7;
	s7 =	simm.s32 @!p0 $0x108  }
0x21: {  	s3 =	sadd.s32 s3, s9;
	s6 =	sadd.s32 @!p0 $0x88, s6;
	s7 =	simm.s32 @p2 $0x1082  }
0x22: {  	[simem:s7], [sflag:s8] =	dma.local @!p0 [hbm:s6], $0xF7A  }
0x23: {  	s9 =	sor.u32 $0xD0000000, s2;
	s6 =	simm.s32 $0x108;
	_ =	swait.ge @!p0 [sflag:s8], $0x0  }
0x24: {  	s3 =	sadd.s32 $0x88, s3;
	s6 =	simm.s32 @!p1 $0x1082;
	[sflag:s4] =	ssyncset.s32 $0xFFFFF086  }
0x25: {  	[simem:s6], [sflag:s4] =	dma.local [hbm:s3], $0xF7A  }
0x26: {  	[smem:$0x3F95] =	sst s1;
	(tag) =	ssettag s2;
	_ =	strace s9  }
0x27: {  	s1 =	sld [smem:$0x3FA5]  }
0x28: {  	s2 =	sld [smem:$0x3FA6]  }
0x29: {  	s4 =	sld [smem:$0x3FA8]  }
0x2a: {  	p0 =	seq.s32 s5, $0x0;
	s5 =	sld [smem:$0x3FA9]  }
0x2b: {  	s6 =	sld [smem:$0x3FAA]  }
0x2c: {  	s7 =	sld [smem:$0x3FAB]  }
0x2d: {  	s3 =	simm.s32 $0x108;
	s8 =	sld [smem:$0x3FAC]  }
0x2e: {  	s3 =	simm.s32 @!p0 $0x1082;
	s9 =	sld [smem:$0x3FAD]  }
0x2f: {  	lr =	sadd.s32 s0, s3;
	s0 =	sld [smem:$0x3FA4]  }
0x30: {  	s3 =	sld [smem:$0x3FA7]  }
0x31: {  	[smem:$0x3FB0] =	sst s10  }
0x32: {  	s10 =	sld [smem:$0x3FAE];
	_ =	sdelay $0x3  }
0x33: {  	p0 =	seq.s32 s10, $0x1;
	s10 =	sld [smem:$0x3FB0];
	_ =	sdelay $0x3  }
0x34: {  	[smem:$0x3FB0] =	sst s10  }
0x35: {  	s10 =	sld [smem:$0x3FAF];
	_ =	sdelay $0x3  }
0x36: {  	p1 =	seq.s32 s10, $0x1;
	s10 =	sld [smem:$0x3FB0];
	_ =	sdelay $0x3  }
0x37: {  	[smem:$0x3FB0] =	sst s10  }
0x38: {  	s10 =	sld [smem:$0x3FB1]  }
0x39: {  	_ = 	snop;
	(pc) =	sbr.ind lr, $3  }
0x3a: {  	_ = 	snop  }
0x3b: {  	_ = 	snop  }
0x3c: {  	p2 =	seq.s32 s10, $0x1;
	s10 =	sld [smem:$0x3FB0]  }
0x3d: {  	_ =	shalt  }
0x3e: {  	_ =	shalt  }
0x3f: {  	_ =	shalt  }
0x40: {  	_ =	shalt  }
0x41: {  	_ =	shalt  }
0x42: {  	_ =	shalt  }
0x43: {  	_ =	shalt  }
0x44: {  	_ =	shalt  }
0x45: {  	_ =	shalt  }
0x46: {  	_ =	shalt  }
0x47: {  	_ =	shalt  }
0x48: {  	_ =	shalt  }
0x49: {  	_ =	shalt  }
0x4a: {  	_ =	shalt  }
0x4b: {  	_ =	shalt  }
0x4c: {  	_ =	shalt  }
0x4d: {  	_ =	shalt  }
0x4e: {  	_ =	shalt  }
0x4f: {  	_ =	shalt  }
0x50: {  	_ =	shalt  }
0x51: {  	_ =	shalt  }
0x52: {  	_ =	shalt  }
0x53: {  	_ =	shalt  }
0x54: {  	_ =	shalt  }
0x55: {  	_ =	shalt  }
0x56: {  	_ =	shalt  }
0x57: {  	_ =	shalt  }
0x58: {  	_ =	shalt  }
0x59: {  	_ =	shalt  }
0x5a: {  	_ =	shalt  }
0x5b: {  	_ =	shalt  }
0x5c: {  	_ =	shalt  }
0x5d: {  	_ =	shalt  }
0x5e: {  	_ =	shalt  }
0x5f: {  	_ =	shalt  }
0x60: {  	_ =	shalt  }
0x61: {  	_ =	shalt  }
0x62: {  	_ =	shalt  }
0x63: {  	_ =	shalt  }
0x64: {  	_ =	shalt  }
0x65: {  	_ =	shalt  }
0x66: {  	_ =	shalt  }
0x67: {  	_ =	shalt  }
0x68: {  	_ =	shalt  }
0x69: {  	_ =	shalt  }
0x6a: {  	_ =	shalt  }
0x6b: {  	_ =	shalt  }
0x6c: {  	_ =	shalt  }
0x6d: {  	_ =	shalt  }
0x6e: {  	_ =	shalt  }
0x6f: {  	_ =	shalt  }
0x70: {  	_ =	shalt  }
0x71: {  	_ =	shalt  }
0x72: {  	_ =	shalt  }
0x73: {  	_ =	shalt  }
0x74: {  	_ =	shalt  }
0x75: {  	_ =	shalt  }
0x76: {  	_ =	shalt  }
0x77: {  	_ =	shalt  }
0x78: {  	_ =	shalt  }
0x79: {  	_ =	shalt  }
0x7a: {  	_ =	shalt  }
0x7b: {  	_ =	shalt  }
0x7c: {  	_ =	shalt  }
0x7d: {  	_ =	shalt  }
0x7e: {  	_ =	shalt  }
0x7f: {  	_ =	shalt  }
0x80: {  	_ =	shalt  }
0x81: {  	_ =	shalt  }
0x82: {  	_ =	shalt  }
0x83: {  	_ =	shalt  }
0x84: {  	_ =	shalt  }
0x85: {  	_ =	shalt  }
0x86: {  	_ =	shalt  }
0x87: {  	_ =	shalt  }
.Lfunc_end0:
.L_simem_size_0:
called_computation_lowered:
.L_overlay_start_0:
0x88: {  	s2 =	sld [smem:$0x3FD9]  }
0x89: {  	s3 =	sld [smem:$0x3FFE];
	_ =	sdelay $0x1  }
0x8a: {  	s1 =	srdreg.scid  }
0x8b: {  	s0 =	sand.u32 $0x1, s1  }
0x8c: {  	s17 =	sshll.u32 s0, $0xA;
	s2 =	sadd.s32 s3, s2  }
0x8d: {  	s2 =	sadd.s32 s2, s17  }
0x8e: {  	[smem:$0x3FBC] =	sst s2  }
0x8f: {  	_ = 	snop  }
0x90: {  	s2 =	sld [smem:$0x3FD0];
	(tm) =	ssettm $0x1  }
0x91: {  	s18 =	sld [smem:$0x3FFB];
	_ =	sdelay $0x3  }
0x92: {  	_ =	strace s18  }
0x93: {  	s3 =	sld [smem:$0x3FFC];
	_ =	sdelay $0x3  }
0x94: {  	_ =	strace s3  }
0x95: {  	s3 =	sld [smem:$0x3FFD];
	_ =	sdelay $0x3  }
0x96: {  	_ =	strace s3  }
0x97: {  	_ =	strace $0x8FFFFFFF  }
0x98: {  	s19 =	sld [smem:$0x3FDB];
	_ =	sdelay $0x1  }
0x99: {  	s4 =	simm.s32 $_scs_section_size  }
0x9a: {  	s5 =	simm.s32 $_size__tile_overlayer_lowered;
	s6 =	simm.s32 $_tile_overlayer_lowered  }
0x9b: {  	s22 =	simm.s32 $0x1BFF;
	s21 =	sshll.u32 s6, $0x1;
	s3 =	sadd.s32 s4, s19  }
0x9c: {  	s7 =	simm.s32 $0x0;
	s20 =	sshll.u32 s5, $0x1;
	s5 =	sadd.s32 s21, s3  }
0x9d: {  	[timem:s7], [sflag:s22] =	dma.local [hbm:s5], s20  }
0x9e: {  	_ =	swait.ge [sflag:s22], s20  }
0x9f: {  	s4 =	ssub.s32 $0x0, s20;
	[sflag:s22] =	ssyncset.done $0x0  }
0xa0: {  	[sflag:s22] =	ssyncadd.s32 s4;
	_ =	sdelay $0x1  }
0xa1: {  	s23 =	simm.s32 $0x1B8B  }
0xa2: {  	_ =	swait.ge [sflag:s23], $0x1  }
0xa3: {  	[sflag:s23] =	ssyncset.done $0x0  }
0xa4: {  	s25 =	simm.s32 $0x1B8E;
	s24 =	sld [smem:$0x3FFE];
	[sflag:s23] =	ssyncadd.s32 $0xFFFFFFFF  }
0xa5: {  	s26 =	simm.s32 $execute0_lowered;
	[smem:$0x3FD2] =	sst s25  }
0xa6: {  	s5 =	sshll.u32 s26, $0x1;
	_ =	strace $0x80000046;
	[dreg:$0x1] =	wrdreg $0xFFFFFFFF  }
0xa7: {  	s28 =	simm.s32 $_size_execute0_lowered;
	s3 =	sadd.s32 s3, s5;
	[dreg:$0x0] =	wrdreg $0x0  }
0xa8: {  	s5 =	sshll.u32 s28, $0x1;
	[dreg:$0x2] =	wrdreg s3  }
0xa9: {  	[dreg:$0x3] =	wrdreg s5  }
0xaa: {  	[dreg:$0x4] =	wrdreg $0xC0  }
0xab: {  	_ =	task [dreg:s7], $0x5FFFF  }
0xac: {  	[dreg:$0x1] =	wrdreg $0xFFFFFFFF  }
0xad: {  	[dreg:$0x0] =	wrdreg $0x60  }
0xae: {  	[dreg:$0x2] =	wrdreg s24  }
0xaf: {  	[dreg:$0x3] =	wrdreg s2  }
0xb0: {  	[dreg:$0x4] =	wrdreg $0x40800  }
0xb1: {  	[dreg:$0x5] =	wrdreg $0x9  }
0xb2: {  	_ =	task.clear_ibuf [dreg:s7], $0x6FFFF;
	_ =	strace $0x90000046  }
0xb3: {  	s29 =	simm.s32 $0x9;
	_ =	strace $0x80000048  }
0xb4: {  	_ =	swait.ge [sflag:s29], $0x1  }
0xb5: {  	[sflag:s29] =	ssyncadd.s32 $0xFFFFFFFF  }
0xb6: {  	_ =	strace $0x90000048  }
0xb7: {  	_ =	sfence  }
0xb8: {  	s30 =	sld [smem:$0x0];
	_ =	sdelay $0x2  }
0xb9: {  	s31 =	sshll.u32 s1, $0xD;
	s1 =	sshrl.u32 s1, $0x2  }
0xba: {  	s3 =	sand.u32 $0x4000, s31;
	s1 =	sadd.s32 s1, s30  }
0xbb: {  	s0 =	sor.u32 s3, s0;
	s1 =	sshll.u32 s1, $0x11  }
0xbc: {  	s0 =	sor.u32 s1, s0  }
0xbd: {  	s0 =	sadd.s32 $0x8F2B, s0  }
0xbe: {  	[sflag:s0] =	ssyncadd.remote.s32 $0x1  }
0xbf: {  	_ =	sfence.sel $0xFFFF  }
0xc0: {  	[dreg:$0x0] =	wrdreg $0xFFFFFFFF;
	(pc) =	sbr.abs _section_cstart, $3  }
0xc1: {  	[dreg:$0x1] =	wrdreg $0xFFFFFFFF  }
0xc2: {  	_ =	task.clear_ibuf [dreg:s7], $0x2FFFF;
	_ =	strace $0x9FFFFFFF  }
0xc3: {  	(tm) =	ssettm $0x7FFFFFFF  }
tec
execute0_lowered:
.L_overlay_start_1:
0x0: {  	(tag) =	ssettag $0x1  }
0x1: {  	s4 =	rddreg [dreg:$0x0]  }
0x2: {  	s1 =	rddreg [dreg:$0x1]  }
0x3: {  	s2 =	rddreg [dreg:$0x2]  }
0x4: {  	s0 =	rddreg [dreg:$0x3]  }
0x5: {  	s3 =	simm.s32 $0x0;
	s6 =	stileid.u32;
	s5 =	srdreg.scid  }
0x6: {  	s11 =	simm.s32 $0x0;
	[smem:$0x7FF] =	sst s3;
	s7 =	sshll.u32 s6, $0xB  }
0x7: {  	s5 =	sand.u32 $0x1, s5;
	p0 =	sne.s32 s6, $0x0;
	_ =	strace $0x80000047  }
0x8: {  	s7 =	sadd.s32 s7, s4;
	s8 =	ssub.s32 $0x2, s5;
	s9 =	sshll.u32 s5, $0x4  }
0x9: {  	s5 =	sshll.u32 s5, $0xF;
	s10 =	sshrl.u32 s8, $0x1;
	s9 =	sadd.s32 s9, s4  }
0xa: {  	s31 =	sadd.s32 s5, s7;
	s7 =	sshrl.u32 @!p0 s2, $0x3;
	s8 =	ssub.s32 s8, s10  }
0xb: {  	s4 =	sadd.s32 $0x2600, s31;
	s5 =	sadd.s32 $0x12600, s9;
	s9 =	simm.s32 $0x50  }
0xc: {  	v0 =	vimm.f32 $1.000000000e+00;
	s10 =	simm.s32 $0x4000;
	s6 =	smax.u32 s8, $0x1;
	s8 =	simm.s32 $0x1  }
.LBB2_1:
0xd: {  	[tilespmem:$0x4000] =	vst v0  }
0xe: {  	[tilespmem:$0x4010] =	vst v0  }
0xf: {  	[tilespmem:$0x4020] =	vst v0  }
0x10: {  	[tilespmem:$0x4030] =	vst v0  }
0x11: {  	[tilespmem:$0x4040] =	vst v0;
	s12 =	simm.s32 @!p0 $0x1C01  }
0x12: {  	[spmem:s7], [sflag:s12] =	dma.local @!p0 [hbm:s1], $0x500  }
0x13: {  	s12 =	simm.s32 @!p0 $0x1  }
0x14: {  	_ =	swait.ge @!p0 [sflag:s12], $0x500  }
0x15: {  	[sflag:s12] =	ssyncset.done @!p0 $0x0  }
0x16: {  	[sflag:s12] =	ssyncadd.s32 @!p0 $0xFFFFFB00  }
0x17: {  	[tilespmem:s3], [sflag:$0x1] =	stream.linear.gather [hbm4b:s4+s3], $0x3E80, $0x38;
	[tilespmem:$0x4300] =	vst v63  }
0x18: {  	_ =	swait.ge [sflag:s8], $0x3E80  }
0x19: {  	[sflag:s8] =	ssyncset.done $0x0  }
0x1a: {  	[sflag:s8] =	ssyncadd.s32 $0xFFFFC180  }
0x1b: {  	s31 =	simm.s32 $0x0;
	[bflag:$0x0] =	sbarrier.arrive $0xFFFF  }
0x1c: {  	[spmem:s2] =	stream.indirect.scatter.add.f32 [tilespmem:s10], [sflag:$0x1], $0x1, s31, s9, $0xb8;
	[tilespmem:$0x4300] =	vst v63  }
0x1d: {  	_ =	swait.ge [sflag:s8], $0x50  }
0x1e: {  	s12 =	simm.s32 $0x200;
	[sflag:s8] =	ssyncset.done $0x0  }
.LBB2_2:
0x1f: {  	s13 =	sshra.s32 s12, $0x2;
	[sflag:s8] =	ssyncadd.s32 $0xFFFFFFB0;
	p1 =	sne.s32 s12, $0xF800  }
0x20: {  	[spmem:s2] =	stream.indirect.scatter.add.f32 [tilespmem:s10], [sflag:$0x1], $0x1, s13, s9, $0xb8;
	[tilespmem:$0x4300] =	vst v63  }
.Ltmp0:
0x21: {  	_ = 	snop;
	(pc) =	sbr.rel @p1 .LBB2_2-.Ltmp0, $4  }
0x22: {  	_ = 	snop  }
0x23: {  	s12 =	sadd.s32 $0x200, s12  }
0x24: {  	_ =	swait.ge [sflag:s8], $0x50  }
0x25: {  	[sflag:s8] =	ssyncset.done $0x0  }
0x26: {  	[sflag:s8] =	ssyncadd.s32 $0xFFFFFFB0;
	s12 =	simm.s32 @!p0 $0x1;
	s11 =	sadd.s32 $0x1, s11  }
0x27: {  	s13 =	simm.s32 @!p0 $0x20;
	s14 =	simm.s32 @!p0 $0x10;
	p1 =	sne.s32 s11, s6  }
.Ltmp1:
0x28: {  	s15 =	simm.s32 @!p0 $0x1C01;
	[bflag:$0x0] =	sbarrier.arrive $0xFFFF;
	(pc) =	sbr.rel @p1 .LBB2_1-.Ltmp1, $4  }
0x29: {  	[hbm:s5@s13], [sflag:s15] =	dma.strided @!p0 [spmem:s7@s14], $0x500, s12, $0x10   }
0x2a: {  	_ =	swait.ge @!p0 [sflag:s12], $0x500  }
0x2b: {  	[sflag:s12] =	ssyncset.done @!p0 $0x0  }
0x2c: {  	[sflag:s12] =	ssyncadd.s32 @!p0 $0xFFFFFB00  }
0x2d: {  	_ =	sfence.sel $0x180000  }
0x2e: {  	[bflag:$0x0] =	sbarrier.arrive $0xFFFF  }
0x2f: {  	_ =	strace $0x90000047  }
0x30: {  	s0 =	sadd.s32 @!p0 $0x100000, s0;
	[bflag:$0x2] =	sbarrier.arrive $0xFFFF  }
0x31: {  	[sflag:s0] =	ssyncadd.tile.s32 @!p0 $0x1;
	_ =	shalt  }
.Lfunc_end2:
_tile_overlayer_lowered:
.L_overlay_start_2:
0x32: {  	(tag) =	ssettag $0x2  }
0x33: {  	s0 =	rddreg [dreg:$0x0];
	s2 =	stileid.u32  }
0x34: {  	s1 =	rddreg [dreg:$0x1];
	p0 =	sne.s32 s2, $0x0  }
0x35: {  	s3 =	rddreg [dreg:$0x2];
	[bflag:$0x3] =	sbarrier.arrive $0xFFFF;
	s2 =	simm.s32 @!p0 $0x1C01  }
0x36: {  	[timem:s3], [sflag:s2] =	dma.local @!p0 [hbm:s0], s1  }
0x37: {  	s0 =	simm.s32 @!p0 $0x1  }
0x38: {  	_ =	swait.ge @!p0 [sflag:s0], s1  }
0x39: {  	s1 =	ssub.s32 @!p0 $0x0, s1;
	[sflag:s0] =	ssyncset.done @!p0 $0x0  }
0x3a: {  	[sflag:s0] =	ssyncadd.s32 @!p0 s1  }
0x3b: {  	[bflag:$0x3] =	sbarrier.arrive $0xFFFF  }
0x3c: {  	_ =	shalt  }

</sc_bundles>
